<compile_context>
chip_gen: v7x
topology: tpu7x:2x2x1
jax: 0.10.2.dev20260603
libtpu: 0.0.44.dev20260713+nightly
codegen_flags: <defaults>
</compile_context>

<pallas_src>
import functools

import jax
import jax.numpy as jnp
from jax import lax
from jax.experimental import pallas as pl
from jax.experimental.pallas import tpu as pltpu
from jax.experimental.pallas import tpu_sc as plsc

B, L, D = 16384, 20, 128
N = B * L
NW = 32
ROWS_W = B // NW
PER_W = N // NW
RB = 4
CHUNK = RB * L
NCHUNK = ROWS_W // RB
LANES = 16
GRP = CHUNK // LANES

_mesh = plsc.VectorSubcoreMesh(core_axis_name="c", subcore_axis_name="s")


@functools.partial(
    pl.kernel,
    out_type=jax.ShapeDtypeStruct((B, L, D), jnp.float32),
    mesh=_mesh,
    compiler_params=pltpu.CompilerParams(use_tc_tiling_on_sc=True),
    scratch_types=[
        pltpu.VMEM((PER_W,), jnp.int32),
        pltpu.VMEM((2, 1, CHUNK), jnp.int32),
        pltpu.VMEM((2, CHUNK, D), jnp.float32),
        pltpu.VMEM_SHARED((192, D), jnp.float32),
        [pltpu.SemaphoreType.DMA] * 2,
        [pltpu.SemaphoreType.DMA] * 2,
    ],
)
def _emb_kernel(idx_hbm, comb_hbm, out_hbm,
                idxblk_v, idx_v, rows_v, comb_sh, sem_g, sem_w):
    wid = lax.axis_index("s") * 2 + lax.axis_index("c")
    w_base = wid * PER_W
    row0 = wid * ROWS_W

    @pl.when(lax.axis_index("s") == 0)
    def _():
        pltpu.sync_copy(comb_hbm, comb_sh)

    pltpu.sync_copy(idx_hbm.at[pl.ds(w_base, PER_W)], idxblk_v)
    plsc.subcore_barrier()

    def compute_idx(c, b):
        idx_b = idx_v.at[b].at[0]
        for k in range(GRP):
            s = pl.ds(k * LANES, LANES)
            sf = pl.ds(c * CHUNK + k * LANES, LANES)
            idx_b[s] = idxblk_v[sf]

    def start_gather(b):
        pltpu.async_copy(comb_sh.at[idx_v.at[b].at[0]], rows_v.at[b], sem_g[b])

    def wait_gather(b):
        pltpu.make_async_copy(comb_sh.at[idx_v.at[b].at[0]], rows_v.at[b],
                              sem_g[b]).wait()

    def start_write(c, b):
        for j in range(RB):
            pltpu.async_copy(rows_v.at[b].at[pl.ds(j * L, L)],
                             out_hbm.at[row0 + c * RB + j], sem_w[b])

    def wait_write(b):
        for j in range(RB):
            pltpu.make_async_copy(rows_v.at[b].at[pl.ds(j * L, L)],
                                  out_hbm.at[row0], sem_w[b]).wait()

    for b in range(2):
        compute_idx(b, b)
        start_gather(b)
        wait_gather(b)
        start_write(b, b)

    def pair_body(p, carry):
        for b in range(2):
            c = 2 * p + b
            compute_idx(c, b)
            wait_write(b)
            start_gather(b)
            wait_gather(b)
            start_write(c, b)
        return carry

    lax.fori_loop(1, NCHUNK // 2, pair_body, 0)
    for b in range(2):
        wait_write(b)


def kernel(e1, e2, soil_table, cover_table):
    comb = jnp.concatenate(
        [jnp.repeat(soil_table, 16, axis=0), jnp.tile(cover_table, (12, 1))],
        axis=1,
    )
    idxf = (e1.astype(jnp.int32) * 16 + e2.astype(jnp.int32)).reshape(-1)
    return _emb_kernel(idxf, comb)

# --- scband reference (transcript-rebuilt; emitter-appended) ---
"""Pipeline reference for scband-embeddings-72705206386957 (READ-ONLY COPY).

The authoritative reference and input builder live on the scoring server;
editing this copy changes nothing except your own understanding.
"""

import jax, jax.numpy as jnp
import numpy as np


def setup_inputs(seed: int = 0) -> dict:
    key = jax.random.key(seed)
    k1, k2, k3, k4 = jax.random.split(key, 4)
    e1 = jax.random.randint(k1, (16384, 20), 0, 12, dtype=jnp.int64 if jax.config.jax_enable_x64 else jnp.int32)
    e2 = jax.random.randint(k2, (16384, 20), 0, 16, dtype=jnp.int64 if jax.config.jax_enable_x64 else jnp.int32)
    soil_table = jax.random.normal(k3, (12, 64), dtype=jnp.float32)
    cover_table = jax.random.normal(k4, (16, 64), dtype=jnp.float32)
    return {"e1": e1, "e2": e2, "soil_table": soil_table, "cover_table": cover_table}


def reference(e1, e2, soil_table, cover_table):
    # nn.Embedding lookup -> gather rows
    emb1 = jnp.take(soil_table, e1, axis=0)   # [B, L, 64]
    emb2 = jnp.take(cover_table, e2, axis=0)  # [B, L, 64]
    out = jnp.concatenate((emb1, emb2), axis=-1)  # [B, L, 128]
    return out

if __name__ == "__main__":
    import jax
    _d = setup_inputs()
    print(jax.jit(kernel)(*tuple(_d.values())))

</pallas_src>

<mosaic_0001>
#map = affine_map<(d0, d1) -> (0)>
#map1 = affine_map<(d0, d1) -> (0, 0)>
#map2 = affine_map<(d0, d1) -> (0, 0, 0)>
module attributes {stable_mosaic.version = 14 : i64} {
  func.func @_emb_kernel(%arg0: i32, %arg1: i32, %arg2: memref<327680xi32, #tpu.memory_space<hbm>>, %arg3: memref<192x128xf32, #tpu.memory_space<hbm>>, %arg4: memref<16384x20x128xf32, #tpu.memory_space<hbm>>, %arg5: memref<10240xi32, #tpu.memory_space<vmem>>, %arg6: memref<2x1x80xi32, #tpu.memory_space<vmem>>, %arg7: memref<2x80x128xf32, #tpu.memory_space<vmem>>, %arg8: memref<192x128xf32, #tpu.memory_space<vmem_shared>>, %arg9: memref<!tpu.dma_semaphore, #tpu.memory_space<semaphore_mem>>, %arg10: memref<!tpu.dma_semaphore, #tpu.memory_space<semaphore_mem>>, %arg11: memref<!tpu.dma_semaphore, #tpu.memory_space<semaphore_mem>>, %arg12: memref<!tpu.dma_semaphore, #tpu.memory_space<semaphore_mem>>) attributes {dimension_semantics = [#tpu.dimension_semantics<core_parallel>, #tpu.dimension_semantics<subcore_parallel>], iteration_bounds = array<i64: 2, 16>, scalar_prefetch = 0 : i64, scratch_operands = 8 : i64, tpu.core_type = #tpu.core_type<sc_vector_subcore>, window_params = [{transform_indices = #map}, {transform_indices = #map1}, {transform_indices = #map2}]} {
    %mul3A = arith.constant 2 : i32
    %mul3A_0 = arith.muli %arg1, %mul3A : i32
    %add3A = arith.addi %mul3A_0, %arg0 : i32
    %mul3A_1 = arith.constant 10240 : i32
    %mul3A_2 = arith.muli %add3A, %mul3A_1 : i32
    %mul3A_3 = arith.constant 512 : i32
    %mul3A_4 = arith.muli %add3A, %mul3A_3 : i32
    %eq3A = arith.constant 0 : i32
    %eq3A_5 = arith.cmpi eq, %arg1, %eq3A : i32
    %convert_element_type3A = arith.extui %eq3A_5 : i1 to i32
    %cond3A = arith.constant 0 : i32
    %cond3A_6 = arith.cmpi ne, %convert_element_type3A, %cond3A : i32
    scf.if %cond3A_6 {
      "tpu.region"() ({
        %run_scoped3A = tpu.sem_alloc : memref<!tpu.dma_semaphore, #tpu.memory_space<semaphore_mem>>
        tpu.enqueue_dma source(%arg3 : memref<192x128xf32, #tpu.memory_space<hbm>>) target(%arg8 : memref<192x128xf32, #tpu.memory_space<vmem_shared>>) target_semaphore(%run_scoped3A : memref<!tpu.dma_semaphore, #tpu.memory_space<semaphore_mem>>)
        tpu.wait_dma2 semaphore(%run_scoped3A : memref<!tpu.dma_semaphore, #tpu.memory_space<semaphore_mem>>) src(%arg3 : memref<192x128xf32, #tpu.memory_space<hbm>>) dst(%arg8 : memref<192x128xf32, #tpu.memory_space<vmem_shared>>)
        tpu.yield
      }) : () -> ()
    } else {
    }
    "tpu.region"() ({
      %run_scoped3A = tpu.sem_alloc : memref<!tpu.dma_semaphore, #tpu.memory_space<semaphore_mem>>
      %dma_start3A_636 = tpu.memref_slice %arg2[%mul3A_2] : memref<327680xi32, #tpu.memory_space<hbm>> -> memref<10240xi32, #tpu.memory_space<hbm>>
      %dma_start3A_637 = tpu.memref_slice %arg2[%mul3A_2] : memref<327680xi32, #tpu.memory_space<hbm>> -> memref<10240xi32, #tpu.memory_space<hbm>>
      tpu.enqueue_dma source(%dma_start3A_637 : memref<10240xi32, #tpu.memory_space<hbm>>) target(%arg5 : memref<10240xi32, #tpu.memory_space<vmem>>) target_semaphore(%run_scoped3A : memref<!tpu.dma_semaphore, #tpu.memory_space<semaphore_mem>>)
      %dma_wait3A_638 = tpu.memref_slice %arg2[%mul3A_2] : memref<327680xi32, #tpu.memory_space<hbm>> -> memref<10240xi32, #tpu.memory_space<hbm>>
      %dma_wait3A_639 = tpu.memref_slice %arg2[%mul3A_2] : memref<327680xi32, #tpu.memory_space<hbm>> -> memref<10240xi32, #tpu.memory_space<hbm>>
      tpu.wait_dma2 semaphore(%run_scoped3A : memref<!tpu.dma_semaphore, #tpu.memory_space<semaphore_mem>>) src(%dma_wait3A_639 : memref<10240xi32, #tpu.memory_space<hbm>>) dst(%arg5 : memref<10240xi32, #tpu.memory_space<vmem>>)
      tpu.yield
    }) : () -> ()
    %barrier3A = arith.constant 0 : index
    tpu.barrier barrier_id(%barrier3A)
    %get3A = arith.constant 0 : index
    %get3A_7 = tpu.vector_load %arg5[%get3A] {strides = array<i32>} : memref<10240xi32, #tpu.memory_space<vmem>>, vector<16xi32>,
    %get3A_8 = vector.shape_cast %get3A_7 : vector<16xi32> to vector<16xi32>
    %swap3A = arith.constant 0 : i32
    %swap3A_9 = arith.constant 0 : i32
    %swap3A_10 = arith.constant 0 : i32
    %swap3A_11 = arith.constant 0 : i32
    %swap3A_12 = tpu.memref_slice %arg6[%swap3A, %swap3A_10, %swap3A_11] : memref<2x1x80xi32, #tpu.memory_space<vmem>> -> memref<1x1x80xi32, #tpu.memory_space<vmem>>
    %swap3A_13 = tpu.memref_squeeze %swap3A_12 : memref<1x1x80xi32, #tpu.memory_space<vmem>> -> memref<1x80xi32, #tpu.memory_space<vmem>>
    %swap3A_14 = arith.constant 0 : i32
    %swap3A_15 = tpu.memref_slice %swap3A_13[%swap3A_9, %swap3A_14] : memref<1x80xi32, #tpu.memory_space<vmem>> -> memref<1x80xi32, #tpu.memory_space<vmem>>
    %swap3A_16 = tpu.memref_squeeze %swap3A_15 : memref<1x80xi32, #tpu.memory_space<vmem>> -> memref<80xi32, #tpu.memory_space<vmem>>
    %swap3A_17 = arith.constant 0 : index
    %swap3A_18 = tpu.vector_load %swap3A_16[%swap3A_17] {strides = array<i32>} : memref<80xi32, #tpu.memory_space<vmem>>, vector<16xi32>,
    %swap3A_19 = vector.shape_cast %swap3A_18 : vector<16xi32> to vector<16xi32>
    %swap3A_20 = vector.shape_cast %get3A_8 : vector<16xi32> to vector<16xi32>
    tpu.vector_store %swap3A_16[%swap3A_17], %swap3A_20 {strides = array<i32>} : memref<80xi32, #tpu.memory_space<vmem>>, vector<16xi32>,
    %get3A_21 = arith.constant 16 : index
    %get3A_22 = tpu.vector_load %arg5[%get3A_21] {strides = array<i32>} : memref<10240xi32, #tpu.memory_space<vmem>>, vector<16xi32>,
    %get3A_23 = vector.shape_cast %get3A_22 : vector<16xi32> to vector<16xi32>
    %swap3A_24 = arith.constant 0 : i32
    %swap3A_25 = arith.constant 0 : i32
    %swap3A_26 = arith.constant 0 : i32
    %swap3A_27 = arith.constant 0 : i32
    %swap3A_28 = tpu.memref_slice %arg6[%swap3A_24, %swap3A_26, %swap3A_27] : memref<2x1x80xi32, #tpu.memory_space<vmem>> -> memref<1x1x80xi32, #tpu.memory_space<vmem>>
    %swap3A_29 = tpu.memref_squeeze %swap3A_28 : memref<1x1x80xi32, #tpu.memory_space<vmem>> -> memref<1x80xi32, #tpu.memory_space<vmem>>
    %swap3A_30 = arith.constant 0 : i32
    %swap3A_31 = tpu.memref_slice %swap3A_29[%swap3A_25, %swap3A_30] : memref<1x80xi32, #tpu.memory_space<vmem>> -> memref<1x80xi32, #tpu.memory_space<vmem>>
    %swap3A_32 = tpu.memref_squeeze %swap3A_31 : memref<1x80xi32, #tpu.memory_space<vmem>> -> memref<80xi32, #tpu.memory_space<vmem>>
    %swap3A_33 = arith.constant 16 : index
    %swap3A_34 = tpu.vector_load %swap3A_32[%swap3A_33] {strides = array<i32>} : memref<80xi32, #tpu.memory_space<vmem>>, vector<16xi32>,
    %swap3A_35 = vector.shape_cast %swap3A_34 : vector<16xi32> to vector<16xi32>
    %swap3A_36 = vector.shape_cast %get3A_23 : vector<16xi32> to vector<16xi32>
    tpu.vector_store %swap3A_32[%swap3A_33], %swap3A_36 {strides = array<i32>} : memref<80xi32, #tpu.memory_space<vmem>>, vector<16xi32>,
    %get3A_37 = arith.constant 32 : index
    %get3A_38 = tpu.vector_load %arg5[%get3A_37] {strides = array<i32>} : memref<10240xi32, #tpu.memory_space<vmem>>, vector<16xi32>,
    %get3A_39 = vector.shape_cast %get3A_38 : vector<16xi32> to vector<16xi32>
    %swap3A_40 = arith.constant 0 : i32
    %swap3A_41 = arith.constant 0 : i32
    %swap3A_42 = arith.constant 0 : i32
    %swap3A_43 = arith.constant 0 : i32
    %swap3A_44 = tpu.memref_slice %arg6[%swap3A_40, %swap3A_42, %swap3A_43] : memref<2x1x80xi32, #tpu.memory_space<vmem>> -> memref<1x1x80xi32, #tpu.memory_space<vmem>>
    %swap3A_45 = tpu.memref_squeeze %swap3A_44 : memref<1x1x80xi32, #tpu.memory_space<vmem>> -> memref<1x80xi32, #tpu.memory_space<vmem>>
    %swap3A_46 = arith.constant 0 : i32
    %swap3A_47 = tpu.memref_slice %swap3A_45[%swap3A_41, %swap3A_46] : memref<1x80xi32, #tpu.memory_space<vmem>> -> memref<1x80xi32, #tpu.memory_space<vmem>>
    %swap3A_48 = tpu.memref_squeeze %swap3A_47 : memref<1x80xi32, #tpu.memory_space<vmem>> -> memref<80xi32, #tpu.memory_space<vmem>>
    %swap3A_49 = arith.constant 32 : index
    %swap3A_50 = tpu.vector_load %swap3A_48[%swap3A_49] {strides = array<i32>} : memref<80xi32, #tpu.memory_space<vmem>>, vector<16xi32>,
    %swap3A_51 = vector.shape_cast %swap3A_50 : vector<16xi32> to vector<16xi32>
    %swap3A_52 = vector.shape_cast %get3A_39 : vector<16xi32> to vector<16xi32>
    tpu.vector_store %swap3A_48[%swap3A_49], %swap3A_52 {strides = array<i32>} : memref<80xi32, #tpu.memory_space<vmem>>, vector<16xi32>,
    %get3A_53 = arith.constant 48 : index
    %get3A_54 = tpu.vector_load %arg5[%get3A_53] {strides = array<i32>} : memref<10240xi32, #tpu.memory_space<vmem>>, vector<16xi32>,
    %get3A_55 = vector.shape_cast %get3A_54 : vector<16xi32> to vector<16xi32>
    %swap3A_56 = arith.constant 0 : i32
    %swap3A_57 = arith.constant 0 : i32
    %swap3A_58 = arith.constant 0 : i32
    %swap3A_59 = arith.constant 0 : i32
    %swap3A_60 = tpu.memref_slice %arg6[%swap3A_56, %swap3A_58, %swap3A_59] : memref<2x1x80xi32, #tpu.memory_space<vmem>> -> memref<1x1x80xi32, #tpu.memory_space<vmem>>
    %swap3A_61 = tpu.memref_squeeze %swap3A_60 : memref<1x1x80xi32, #tpu.memory_space<vmem>> -> memref<1x80xi32, #tpu.memory_space<vmem>>
    %swap3A_62 = arith.constant 0 : i32
    %swap3A_63 = tpu.memref_slice %swap3A_61[%swap3A_57, %swap3A_62] : memref<1x80xi32, #tpu.memory_space<vmem>> -> memref<1x80xi32, #tpu.memory_space<vmem>>
    %swap3A_64 = tpu.memref_squeeze %swap3A_63 : memref<1x80xi32, #tpu.memory_space<vmem>> -> memref<80xi32, #tpu.memory_space<vmem>>
    %swap3A_65 = arith.constant 48 : index
    %swap3A_66 = tpu.vector_load %swap3A_64[%swap3A_65] {strides = array<i32>} : memref<80xi32, #tpu.memory_space<vmem>>, vector<16xi32>,
    %swap3A_67 = vector.shape_cast %swap3A_66 : vector<16xi32> to vector<16xi32>
    %swap3A_68 = vector.shape_cast %get3A_55 : vector<16xi32> to vector<16xi32>
    tpu.vector_store %swap3A_64[%swap3A_65], %swap3A_68 {strides = array<i32>} : memref<80xi32, #tpu.memory_space<vmem>>, vector<16xi32>,
    %get3A_69 = arith.constant 64 : index
    %get3A_70 = tpu.vector_load %arg5[%get3A_69] {strides = array<i32>} : memref<10240xi32, #tpu.memory_space<vmem>>, vector<16xi32>,
    %get3A_71 = vector.shape_cast %get3A_70 : vector<16xi32> to vector<16xi32>
    %swap3A_72 = arith.constant 0 : i32
    %swap3A_73 = arith.constant 0 : i32
    %swap3A_74 = arith.constant 0 : i32
    %swap3A_75 = arith.constant 0 : i32
    %swap3A_76 = tpu.memref_slice %arg6[%swap3A_72, %swap3A_74, %swap3A_75] : memref<2x1x80xi32, #tpu.memory_space<vmem>> -> memref<1x1x80xi32, #tpu.memory_space<vmem>>
    %swap3A_77 = tpu.memref_squeeze %swap3A_76 : memref<1x1x80xi32, #tpu.memory_space<vmem>> -> memref<1x80xi32, #tpu.memory_space<vmem>>
    %swap3A_78 = arith.constant 0 : i32
    %swap3A_79 = tpu.memref_slice %swap3A_77[%swap3A_73, %swap3A_78] : memref<1x80xi32, #tpu.memory_space<vmem>> -> memref<1x80xi32, #tpu.memory_space<vmem>>
    %swap3A_80 = tpu.memref_squeeze %swap3A_79 : memref<1x80xi32, #tpu.memory_space<vmem>> -> memref<80xi32, #tpu.memory_space<vmem>>
    %swap3A_81 = arith.constant 64 : index
    %swap3A_82 = tpu.vector_load %swap3A_80[%swap3A_81] {strides = array<i32>} : memref<80xi32, #tpu.memory_space<vmem>>, vector<16xi32>,
    %swap3A_83 = vector.shape_cast %swap3A_82 : vector<16xi32> to vector<16xi32>
    %swap3A_84 = vector.shape_cast %get3A_71 : vector<16xi32> to vector<16xi32>
    tpu.vector_store %swap3A_80[%swap3A_81], %swap3A_84 {strides = array<i32>} : memref<80xi32, #tpu.memory_space<vmem>>, vector<16xi32>,
    %dma_start3A = arith.constant 0 : i32
    %dma_start3A_85 = arith.constant 0 : i32
    %dma_start3A_86 = arith.constant 0 : i32
    %dma_start3A_87 = arith.constant 0 : i32
    %dma_start3A_88 = arith.constant 0 : i32
    %dma_start3A_89 = tpu.memref_slice %arg7[%dma_start3A_86, %dma_start3A_87, %dma_start3A_88] : memref<2x80x128xf32, #tpu.memory_space<vmem>> -> memref<1x80x128xf32, #tpu.memory_space<vmem>>
    %dma_start3A_90 = tpu.memref_squeeze %dma_start3A_89 : memref<1x80x128xf32, #tpu.memory_space<vmem>> -> memref<80x128xf32, #tpu.memory_space<vmem>>
    %dma_start3A_91 = arith.constant 0 : i32
    %dma_start3A_92 = arith.constant 0 : i32
    %dma_start3A_93 = tpu.memref_slice %arg6[%dma_start3A, %dma_start3A_91, %dma_start3A_92] : memref<2x1x80xi32, #tpu.memory_space<vmem>> -> memref<1x1x80xi32, #tpu.memory_space<vmem>>
    %dma_start3A_94 = tpu.memref_squeeze %dma_start3A_93 : memref<1x1x80xi32, #tpu.memory_space<vmem>> -> memref<1x80xi32, #tpu.memory_space<vmem>>
    %dma_start3A_95 = arith.constant 0 : i32
    %dma_start3A_96 = tpu.memref_slice %dma_start3A_94[%dma_start3A_85, %dma_start3A_95] : memref<1x80xi32, #tpu.memory_space<vmem>> -> memref<1x80xi32, #tpu.memory_space<vmem>>
    %dma_start3A_97 = tpu.memref_squeeze %dma_start3A_96 : memref<1x80xi32, #tpu.memory_space<vmem>> -> memref<80xi32, #tpu.memory_space<vmem>>
    %dma_start3A_98 = arith.constant 0 : i32
    %dma_start3A_99 = arith.constant 0 : i32
    %dma_start3A_100 = tpu.memref_slice %arg8[%dma_start3A_98, %dma_start3A_99] : memref<192x128xf32, #tpu.memory_space<vmem_shared>> -> memref<192x128xf32, #tpu.memory_space<vmem_shared>>
    tpu.enqueue_indirect_dma source(%dma_start3A_100 : memref<192x128xf32, #tpu.memory_space<vmem_shared>>) target(%dma_start3A_90 : memref<80x128xf32, #tpu.memory_space<vmem>>) offsets(%dma_start3A_97 : memref<80xi32, #tpu.memory_space<vmem>>) semaphore(%arg9 : memref<!tpu.dma_semaphore, #tpu.memory_space<semaphore_mem>>)
    %dma_wait3A = arith.constant 0 : i32
    %dma_wait3A_101 = arith.constant 0 : i32
    %dma_wait3A_102 = arith.constant 0 : i32
    %dma_wait3A_103 = arith.constant 0 : i32
    %dma_wait3A_104 = arith.constant 0 : i32
    %dma_wait3A_105 = tpu.memref_slice %arg7[%dma_wait3A_102, %dma_wait3A_103, %dma_wait3A_104] : memref<2x80x128xf32, #tpu.memory_space<vmem>> -> memref<1x80x128xf32, #tpu.memory_space<vmem>>
    %dma_wait3A_106 = tpu.memref_squeeze %dma_wait3A_105 : memref<1x80x128xf32, #tpu.memory_space<vmem>> -> memref<80x128xf32, #tpu.memory_space<vmem>>
    %dma_wait3A_107 = arith.constant 0 : i32
    %dma_wait3A_108 = arith.constant 0 : i32
    %dma_wait3A_109 = tpu.memref_slice %arg6[%dma_wait3A, %dma_wait3A_107, %dma_wait3A_108] : memref<2x1x80xi32, #tpu.memory_space<vmem>> -> memref<1x1x80xi32, #tpu.memory_space<vmem>>
    %dma_wait3A_110 = tpu.memref_squeeze %dma_wait3A_109 : memref<1x1x80xi32, #tpu.memory_space<vmem>> -> memref<1x80xi32, #tpu.memory_space<vmem>>
    %dma_wait3A_111 = arith.constant 0 : i32
    %dma_wait3A_112 = tpu.memref_slice %dma_wait3A_110[%dma_wait3A_101, %dma_wait3A_111] : memref<1x80xi32, #tpu.memory_space<vmem>> -> memref<1x80xi32, #tpu.memory_space<vmem>>
    %dma_wait3A_113 = tpu.memref_squeeze %dma_wait3A_112 : memref<1x80xi32, #tpu.memory_space<vmem>> -> memref<80xi32, #tpu.memory_space<vmem>>
    %dma_wait3A_114 = arith.constant 0 : i32
    %dma_wait3A_115 = arith.constant 0 : i32
    %dma_wait3A_116 = tpu.memref_slice %arg8[%dma_wait3A_114, %dma_wait3A_115] : memref<192x128xf32, #tpu.memory_space<vmem_shared>> -> memref<192x128xf32, #tpu.memory_space<vmem_shared>>
    tpu.wait_indirect_dma semaphore(%arg9 : memref<!tpu.dma_semaphore, #tpu.memory_space<semaphore_mem>>) src(%dma_wait3A_116 : memref<192x128xf32, #tpu.memory_space<vmem_shared>>) dst(%dma_wait3A_106 : memref<80x128xf32, #tpu.memory_space<vmem>>)
    %add3A_117 = arith.constant 0 : i32
    %add3A_118 = arith.addi %mul3A_4, %add3A_117 : i32
    %add3A_119 = arith.constant 0 : i32
    %add3A_120 = arith.addi %add3A_118, %add3A_119 : i32
    %dma_start3A_121 = arith.constant 0 : i32
    %dma_start3A_122 = arith.constant 0 : i32
    %dma_start3A_123 = arith.constant 0 : i32
    %dma_start3A_124 = tpu.memref_slice %arg7[%dma_start3A_121, %dma_start3A_122, %dma_start3A_123] : memref<2x80x128xf32, #tpu.memory_space<vmem>> -> memref<1x80x128xf32, #tpu.memory_space<vmem>>
    %dma_start3A_125 = tpu.memref_squeeze %dma_start3A_124 : memref<1x80x128xf32, #tpu.memory_space<vmem>> -> memref<80x128xf32, #tpu.memory_space<vmem>>
    %dma_start3A_126 = arith.constant 0 : i32
    %dma_start3A_127 = arith.constant 0 : i32
    %dma_start3A_128 = tpu.memref_slice %dma_start3A_125[%dma_start3A_126, %dma_start3A_127] : memref<80x128xf32, #tpu.memory_space<vmem>> -> memref<20x128xf32, #tpu.memory_space<vmem>>
    %dma_start3A_129 = arith.constant 0 : i32
    %dma_start3A_130 = arith.constant 0 : i32
    %dma_start3A_131 = tpu.memref_slice %arg4[%add3A_120, %dma_start3A_129, %dma_start3A_130] : memref<16384x20x128xf32, #tpu.memory_space<hbm>> -> memref<1x20x128xf32, #tpu.memory_space<hbm>>
    %dma_start3A_132 = tpu.memref_squeeze %dma_start3A_131 : memref<1x20x128xf32, #tpu.memory_space<hbm>> -> memref<20x128xf32, #tpu.memory_space<hbm>>
    %dma_start3A_133 = arith.constant 0 : i32
    %dma_start3A_134 = arith.constant 0 : i32
    %dma_start3A_135 = tpu.memref_slice %arg4[%add3A_120, %dma_start3A_133, %dma_start3A_134] : memref<16384x20x128xf32, #tpu.memory_space<hbm>> -> memref<1x20x128xf32, #tpu.memory_space<hbm>>
    %dma_start3A_136 = tpu.memref_squeeze %dma_start3A_135 : memref<1x20x128xf32, #tpu.memory_space<hbm>> -> memref<20x128xf32, #tpu.memory_space<hbm>>
    %dma_start3A_137 = arith.constant 0 : i32
    %dma_start3A_138 = arith.constant 0 : i32
    %dma_start3A_139 = tpu.memref_slice %arg7[%dma_start3A_121, %dma_start3A_137, %dma_start3A_138] : memref<2x80x128xf32, #tpu.memory_space<vmem>> -> memref<1x80x128xf32, #tpu.memory_space<vmem>>
    %dma_start3A_140 = tpu.memref_squeeze %dma_start3A_139 : memref<1x80x128xf32, #tpu.memory_space<vmem>> -> memref<80x128xf32, #tpu.memory_space<vmem>>
    %dma_start3A_141 = arith.constant 0 : i32
    %dma_start3A_142 = arith.constant 0 : i32
    %dma_start3A_143 = tpu.memref_slice %dma_start3A_140[%dma_start3A_141, %dma_start3A_142] : memref<80x128xf32, #tpu.memory_space<vmem>> -> memref<20x128xf32, #tpu.memory_space<vmem>>
    tpu.enqueue_dma source(%dma_start3A_143 : memref<20x128xf32, #tpu.memory_space<vmem>>) target(%dma_start3A_136 : memref<20x128xf32, #tpu.memory_space<hbm>>) target_semaphore(%arg11 : memref<!tpu.dma_semaphore, #tpu.memory_space<semaphore_mem>>)
    %add3A_144 = arith.constant 0 : i32
    %add3A_145 = arith.addi %mul3A_4, %add3A_144 : i32
    %add3A_146 = arith.constant 1 : i32
    %add3A_147 = arith.addi %add3A_145, %add3A_146 : i32
    %dma_start3A_148 = arith.constant 0 : i32
    %dma_start3A_149 = arith.constant 0 : i32
    %dma_start3A_150 = arith.constant 0 : i32
    %dma_start3A_151 = tpu.memref_slice %arg7[%dma_start3A_148, %dma_start3A_149, %dma_start3A_150] : memref<2x80x128xf32, #tpu.memory_space<vmem>> -> memref<1x80x128xf32, #tpu.memory_space<vmem>>
    %dma_start3A_152 = tpu.memref_squeeze %dma_start3A_151 : memref<1x80x128xf32, #tpu.memory_space<vmem>> -> memref<80x128xf32, #tpu.memory_space<vmem>>
    %dma_start3A_153 = arith.constant 20 : i32
    %dma_start3A_154 = arith.constant 0 : i32
    %dma_start3A_155 = tpu.memref_slice %dma_start3A_152[%dma_start3A_153, %dma_start3A_154] : memref<80x128xf32, #tpu.memory_space<vmem>> -> memref<20x128xf32, #tpu.memory_space<vmem>>
    %dma_start3A_156 = arith.constant 0 : i32
    %dma_start3A_157 = arith.constant 0 : i32
    %dma_start3A_158 = tpu.memref_slice %arg4[%add3A_147, %dma_start3A_156, %dma_start3A_157] : memref<16384x20x128xf32, #tpu.memory_space<hbm>> -> memref<1x20x128xf32, #tpu.memory_space<hbm>>
    %dma_start3A_159 = tpu.memref_squeeze %dma_start3A_158 : memref<1x20x128xf32, #tpu.memory_space<hbm>> -> memref<20x128xf32, #tpu.memory_space<hbm>>
    %dma_start3A_160 = arith.constant 0 : i32
    %dma_start3A_161 = arith.constant 0 : i32
    %dma_start3A_162 = tpu.memref_slice %arg4[%add3A_147, %dma_start3A_160, %dma_start3A_161] : memref<16384x20x128xf32, #tpu.memory_space<hbm>> -> memref<1x20x128xf32, #tpu.memory_space<hbm>>
    %dma_start3A_163 = tpu.memref_squeeze %dma_start3A_162 : memref<1x20x128xf32, #tpu.memory_space<hbm>> -> memref<20x128xf32, #tpu.memory_space<hbm>>
    %dma_start3A_164 = arith.constant 0 : i32
    %dma_start3A_165 = arith.constant 0 : i32
    %dma_start3A_166 = tpu.memref_slice %arg7[%dma_start3A_148, %dma_start3A_164, %dma_start3A_165] : memref<2x80x128xf32, #tpu.memory_space<vmem>> -> memref<1x80x128xf32, #tpu.memory_space<vmem>>
    %dma_start3A_167 = tpu.memref_squeeze %dma_start3A_166 : memref<1x80x128xf32, #tpu.memory_space<vmem>> -> memref<80x128xf32, #tpu.memory_space<vmem>>
    %dma_start3A_168 = arith.constant 20 : i32
    %dma_start3A_169 = arith.constant 0 : i32
    %dma_start3A_170 = tpu.memref_slice %dma_start3A_167[%dma_start3A_168, %dma_start3A_169] : memref<80x128xf32, #tpu.memory_space<vmem>> -> memref<20x128xf32, #tpu.memory_space<vmem>>
    tpu.enqueue_dma source(%dma_start3A_170 : memref<20x128xf32, #tpu.memory_space<vmem>>) target(%dma_start3A_163 : memref<20x128xf32, #tpu.memory_space<hbm>>) target_semaphore(%arg11 : memref<!tpu.dma_semaphore, #tpu.memory_space<semaphore_mem>>)
    %add3A_171 = arith.constant 0 : i32
    %add3A_172 = arith.addi %mul3A_4, %add3A_171 : i32
    %add3A_173 = arith.constant 2 : i32
    %add3A_174 = arith.addi %add3A_172, %add3A_173 : i32
    %dma_start3A_175 = arith.constant 0 : i32
    %dma_start3A_176 = arith.constant 0 : i32
    %dma_start3A_177 = arith.constant 0 : i32
    %dma_start3A_178 = tpu.memref_slice %arg7[%dma_start3A_175, %dma_start3A_176, %dma_start3A_177] : memref<2x80x128xf32, #tpu.memory_space<vmem>> -> memref<1x80x128xf32, #tpu.memory_space<vmem>>
    %dma_start3A_179 = tpu.memref_squeeze %dma_start3A_178 : memref<1x80x128xf32, #tpu.memory_space<vmem>> -> memref<80x128xf32, #tpu.memory_space<vmem>>
    %dma_start3A_180 = arith.constant 40 : i32
    %dma_start3A_181 = arith.constant 0 : i32
    %dma_start3A_182 = tpu.memref_slice %dma_start3A_179[%dma_start3A_180, %dma_start3A_181] : memref<80x128xf32, #tpu.memory_space<vmem>> -> memref<20x128xf32, #tpu.memory_space<vmem>>
    %dma_start3A_183 = arith.constant 0 : i32
    %dma_start3A_184 = arith.constant 0 : i32
    %dma_start3A_185 = tpu.memref_slice %arg4[%add3A_174, %dma_start3A_183, %dma_start3A_184] : memref<16384x20x128xf32, #tpu.memory_space<hbm>> -> memref<1x20x128xf32, #tpu.memory_space<hbm>>
    %dma_start3A_186 = tpu.memref_squeeze %dma_start3A_185 : memref<1x20x128xf32, #tpu.memory_space<hbm>> -> memref<20x128xf32, #tpu.memory_space<hbm>>
    %dma_start3A_187 = arith.constant 0 : i32
    %dma_start3A_188 = arith.constant 0 : i32
    %dma_start3A_189 = tpu.memref_slice %arg4[%add3A_174, %dma_start3A_187, %dma_start3A_188] : memref<16384x20x128xf32, #tpu.memory_space<hbm>> -> memref<1x20x128xf32, #tpu.memory_space<hbm>>
    %dma_start3A_190 = tpu.memref_squeeze %dma_start3A_189 : memref<1x20x128xf32, #tpu.memory_space<hbm>> -> memref<20x128xf32, #tpu.memory_space<hbm>>
    %dma_start3A_191 = arith.constant 0 : i32
    %dma_start3A_192 = arith.constant 0 : i32
    %dma_start3A_193 = tpu.memref_slice %arg7[%dma_start3A_175, %dma_start3A_191, %dma_start3A_192] : memref<2x80x128xf32, #tpu.memory_space<vmem>> -> memref<1x80x128xf32, #tpu.memory_space<vmem>>
    %dma_start3A_194 = tpu.memref_squeeze %dma_start3A_193 : memref<1x80x128xf32, #tpu.memory_space<vmem>> -> memref<80x128xf32, #tpu.memory_space<vmem>>
    %dma_start3A_195 = arith.constant 40 : i32
    %dma_start3A_196 = arith.constant 0 : i32
    %dma_start3A_197 = tpu.memref_slice %dma_start3A_194[%dma_start3A_195, %dma_start3A_196] : memref<80x128xf32, #tpu.memory_space<vmem>> -> memref<20x128xf32, #tpu.memory_space<vmem>>
    tpu.enqueue_dma source(%dma_start3A_197 : memref<20x128xf32, #tpu.memory_space<vmem>>) target(%dma_start3A_190 : memref<20x128xf32, #tpu.memory_space<hbm>>) target_semaphore(%arg11 : memref<!tpu.dma_semaphore, #tpu.memory_space<semaphore_mem>>)
    %add3A_198 = arith.constant 0 : i32
    %add3A_199 = arith.addi %mul3A_4, %add3A_198 : i32
    %add3A_200 = arith.constant 3 : i32
    %add3A_201 = arith.addi %add3A_199, %add3A_200 : i32
    %dma_start3A_202 = arith.constant 0 : i32
    %dma_start3A_203 = arith.constant 0 : i32
    %dma_start3A_204 = arith.constant 0 : i32
    %dma_start3A_205 = tpu.memref_slice %arg7[%dma_start3A_202, %dma_start3A_203, %dma_start3A_204] : memref<2x80x128xf32, #tpu.memory_space<vmem>> -> memref<1x80x128xf32, #tpu.memory_space<vmem>>
    %dma_start3A_206 = tpu.memref_squeeze %dma_start3A_205 : memref<1x80x128xf32, #tpu.memory_space<vmem>> -> memref<80x128xf32, #tpu.memory_space<vmem>>
    %dma_start3A_207 = arith.constant 60 : i32
    %dma_start3A_208 = arith.constant 0 : i32
    %dma_start3A_209 = tpu.memref_slice %dma_start3A_206[%dma_start3A_207, %dma_start3A_208] : memref<80x128xf32, #tpu.memory_space<vmem>> -> memref<20x128xf32, #tpu.memory_space<vmem>>
    %dma_start3A_210 = arith.constant 0 : i32
    %dma_start3A_211 = arith.constant 0 : i32
    %dma_start3A_212 = tpu.memref_slice %arg4[%add3A_201, %dma_start3A_210, %dma_start3A_211] : memref<16384x20x128xf32, #tpu.memory_space<hbm>> -> memref<1x20x128xf32, #tpu.memory_space<hbm>>
    %dma_start3A_213 = tpu.memref_squeeze %dma_start3A_212 : memref<1x20x128xf32, #tpu.memory_space<hbm>> -> memref<20x128xf32, #tpu.memory_space<hbm>>
    %dma_start3A_214 = arith.constant 0 : i32
    %dma_start3A_215 = arith.constant 0 : i32
    %dma_start3A_216 = tpu.memref_slice %arg4[%add3A_201, %dma_start3A_214, %dma_start3A_215] : memref<16384x20x128xf32, #tpu.memory_space<hbm>> -> memref<1x20x128xf32, #tpu.memory_space<hbm>>
    %dma_start3A_217 = tpu.memref_squeeze %dma_start3A_216 : memref<1x20x128xf32, #tpu.memory_space<hbm>> -> memref<20x128xf32, #tpu.memory_space<hbm>>
    %dma_start3A_218 = arith.constant 0 : i32
    %dma_start3A_219 = arith.constant 0 : i32
    %dma_start3A_220 = tpu.memref_slice %arg7[%dma_start3A_202, %dma_start3A_218, %dma_start3A_219] : memref<2x80x128xf32, #tpu.memory_space<vmem>> -> memref<1x80x128xf32, #tpu.memory_space<vmem>>
    %dma_start3A_221 = tpu.memref_squeeze %dma_start3A_220 : memref<1x80x128xf32, #tpu.memory_space<vmem>> -> memref<80x128xf32, #tpu.memory_space<vmem>>
    %dma_start3A_222 = arith.constant 60 : i32
    %dma_start3A_223 = arith.constant 0 : i32
    %dma_start3A_224 = tpu.memref_slice %dma_start3A_221[%dma_start3A_222, %dma_start3A_223] : memref<80x128xf32, #tpu.memory_space<vmem>> -> memref<20x128xf32, #tpu.memory_space<vmem>>
    tpu.enqueue_dma source(%dma_start3A_224 : memref<20x128xf32, #tpu.memory_space<vmem>>) target(%dma_start3A_217 : memref<20x128xf32, #tpu.memory_space<hbm>>) target_semaphore(%arg11 : memref<!tpu.dma_semaphore, #tpu.memory_space<semaphore_mem>>)
    %get3A_225 = arith.constant 80 : index
    %get3A_226 = tpu.vector_load %arg5[%get3A_225] {strides = array<i32>} : memref<10240xi32, #tpu.memory_space<vmem>>, vector<16xi32>,
    %get3A_227 = vector.shape_cast %get3A_226 : vector<16xi32> to vector<16xi32>
    %swap3A_228 = arith.constant 1 : i32
    %swap3A_229 = arith.constant 0 : i32
    %swap3A_230 = arith.constant 0 : i32
    %swap3A_231 = arith.constant 0 : i32
    %swap3A_232 = tpu.memref_slice %arg6[%swap3A_228, %swap3A_230, %swap3A_231] : memref<2x1x80xi32, #tpu.memory_space<vmem>> -> memref<1x1x80xi32, #tpu.memory_space<vmem>>
    %swap3A_233 = tpu.memref_squeeze %swap3A_232 : memref<1x1x80xi32, #tpu.memory_space<vmem>> -> memref<1x80xi32, #tpu.memory_space<vmem>>
    %swap3A_234 = arith.constant 0 : i32
    %swap3A_235 = tpu.memref_slice %swap3A_233[%swap3A_229, %swap3A_234] : memref<1x80xi32, #tpu.memory_space<vmem>> -> memref<1x80xi32, #tpu.memory_space<vmem>>
    %swap3A_236 = tpu.memref_squeeze %swap3A_235 : memref<1x80xi32, #tpu.memory_space<vmem>> -> memref<80xi32, #tpu.memory_space<vmem>>
    %swap3A_237 = arith.constant 0 : index
    %swap3A_238 = tpu.vector_load %swap3A_236[%swap3A_237] {strides = array<i32>} : memref<80xi32, #tpu.memory_space<vmem>>, vector<16xi32>,
    %swap3A_239 = vector.shape_cast %swap3A_238 : vector<16xi32> to vector<16xi32>
    %swap3A_240 = vector.shape_cast %get3A_227 : vector<16xi32> to vector<16xi32>
    tpu.vector_store %swap3A_236[%swap3A_237], %swap3A_240 {strides = array<i32>} : memref<80xi32, #tpu.memory_space<vmem>>, vector<16xi32>,
    %get3A_241 = arith.constant 96 : index
    %get3A_242 = tpu.vector_load %arg5[%get3A_241] {strides = array<i32>} : memref<10240xi32, #tpu.memory_space<vmem>>, vector<16xi32>,
    %get3A_243 = vector.shape_cast %get3A_242 : vector<16xi32> to vector<16xi32>
    %swap3A_244 = arith.constant 1 : i32
    %swap3A_245 = arith.constant 0 : i32
    %swap3A_246 = arith.constant 0 : i32
    %swap3A_247 = arith.constant 0 : i32
    %swap3A_248 = tpu.memref_slice %arg6[%swap3A_244, %swap3A_246, %swap3A_247] : memref<2x1x80xi32, #tpu.memory_space<vmem>> -> memref<1x1x80xi32, #tpu.memory_space<vmem>>
    %swap3A_249 = tpu.memref_squeeze %swap3A_248 : memref<1x1x80xi32, #tpu.memory_space<vmem>> -> memref<1x80xi32, #tpu.memory_space<vmem>>
    %swap3A_250 = arith.constant 0 : i32
    %swap3A_251 = tpu.memref_slice %swap3A_249[%swap3A_245, %swap3A_250] : memref<1x80xi32, #tpu.memory_space<vmem>> -> memref<1x80xi32, #tpu.memory_space<vmem>>
    %swap3A_252 = tpu.memref_squeeze %swap3A_251 : memref<1x80xi32, #tpu.memory_space<vmem>> -> memref<80xi32, #tpu.memory_space<vmem>>
    %swap3A_253 = arith.constant 16 : index
    %swap3A_254 = tpu.vector_load %swap3A_252[%swap3A_253] {strides = array<i32>} : memref<80xi32, #tpu.memory_space<vmem>>, vector<16xi32>,
    %swap3A_255 = vector.shape_cast %swap3A_254 : vector<16xi32> to vector<16xi32>
    %swap3A_256 = vector.shape_cast %get3A_243 : vector<16xi32> to vector<16xi32>
    tpu.vector_store %swap3A_252[%swap3A_253], %swap3A_256 {strides = array<i32>} : memref<80xi32, #tpu.memory_space<vmem>>, vector<16xi32>,
    %get3A_257 = arith.constant 112 : index
    %get3A_258 = tpu.vector_load %arg5[%get3A_257] {strides = array<i32>} : memref<10240xi32, #tpu.memory_space<vmem>>, vector<16xi32>,
    %get3A_259 = vector.shape_cast %get3A_258 : vector<16xi32> to vector<16xi32>
    %swap3A_260 = arith.constant 1 : i32
    %swap3A_261 = arith.constant 0 : i32
    %swap3A_262 = arith.constant 0 : i32
    %swap3A_263 = arith.constant 0 : i32
    %swap3A_264 = tpu.memref_slice %arg6[%swap3A_260, %swap3A_262, %swap3A_263] : memref<2x1x80xi32, #tpu.memory_space<vmem>> -> memref<1x1x80xi32, #tpu.memory_space<vmem>>
    %swap3A_265 = tpu.memref_squeeze %swap3A_264 : memref<1x1x80xi32, #tpu.memory_space<vmem>> -> memref<1x80xi32, #tpu.memory_space<vmem>>
    %swap3A_266 = arith.constant 0 : i32
    %swap3A_267 = tpu.memref_slice %swap3A_265[%swap3A_261, %swap3A_266] : memref<1x80xi32, #tpu.memory_space<vmem>> -> memref<1x80xi32, #tpu.memory_space<vmem>>
    %swap3A_268 = tpu.memref_squeeze %swap3A_267 : memref<1x80xi32, #tpu.memory_space<vmem>> -> memref<80xi32, #tpu.memory_space<vmem>>
    %swap3A_269 = arith.constant 32 : index
    %swap3A_270 = tpu.vector_load %swap3A_268[%swap3A_269] {strides = array<i32>} : memref<80xi32, #tpu.memory_space<vmem>>, vector<16xi32>,
    %swap3A_271 = vector.shape_cast %swap3A_270 : vector<16xi32> to vector<16xi32>
    %swap3A_272 = vector.shape_cast %get3A_259 : vector<16xi32> to vector<16xi32>
    tpu.vector_store %swap3A_268[%swap3A_269], %swap3A_272 {strides = array<i32>} : memref<80xi32, #tpu.memory_space<vmem>>, vector<16xi32>,
    %get3A_273 = arith.constant 128 : index
    %get3A_274 = tpu.vector_load %arg5[%get3A_273] {strides = array<i32>} : memref<10240xi32, #tpu.memory_space<vmem>>, vector<16xi32>,
    %get3A_275 = vector.shape_cast %get3A_274 : vector<16xi32> to vector<16xi32>
    %swap3A_276 = arith.constant 1 : i32
    %swap3A_277 = arith.constant 0 : i32
    %swap3A_278 = arith.constant 0 : i32
    %swap3A_279 = arith.constant 0 : i32
    %swap3A_280 = tpu.memref_slice %arg6[%swap3A_276, %swap3A_278, %swap3A_279] : memref<2x1x80xi32, #tpu.memory_space<vmem>> -> memref<1x1x80xi32, #tpu.memory_space<vmem>>
    %swap3A_281 = tpu.memref_squeeze %swap3A_280 : memref<1x1x80xi32, #tpu.memory_space<vmem>> -> memref<1x80xi32, #tpu.memory_space<vmem>>
    %swap3A_282 = arith.constant 0 : i32
    %swap3A_283 = tpu.memref_slice %swap3A_281[%swap3A_277, %swap3A_282] : memref<1x80xi32, #tpu.memory_space<vmem>> -> memref<1x80xi32, #tpu.memory_space<vmem>>
    %swap3A_284 = tpu.memref_squeeze %swap3A_283 : memref<1x80xi32, #tpu.memory_space<vmem>> -> memref<80xi32, #tpu.memory_space<vmem>>
    %swap3A_285 = arith.constant 48 : index
    %swap3A_286 = tpu.vector_load %swap3A_284[%swap3A_285] {strides = array<i32>} : memref<80xi32, #tpu.memory_space<vmem>>, vector<16xi32>,
    %swap3A_287 = vector.shape_cast %swap3A_286 : vector<16xi32> to vector<16xi32>
    %swap3A_288 = vector.shape_cast %get3A_275 : vector<16xi32> to vector<16xi32>
    tpu.vector_store %swap3A_284[%swap3A_285], %swap3A_288 {strides = array<i32>} : memref<80xi32, #tpu.memory_space<vmem>>, vector<16xi32>,
    %get3A_289 = arith.constant 144 : index
    %get3A_290 = tpu.vector_load %arg5[%get3A_289] {strides = array<i32>} : memref<10240xi32, #tpu.memory_space<vmem>>, vector<16xi32>,
    %get3A_291 = vector.shape_cast %get3A_290 : vector<16xi32> to vector<16xi32>
    %swap3A_292 = arith.constant 1 : i32
    %swap3A_293 = arith.constant 0 : i32
    %swap3A_294 = arith.constant 0 : i32
    %swap3A_295 = arith.constant 0 : i32
    %swap3A_296 = tpu.memref_slice %arg6[%swap3A_292, %swap3A_294, %swap3A_295] : memref<2x1x80xi32, #tpu.memory_space<vmem>> -> memref<1x1x80xi32, #tpu.memory_space<vmem>>
    %swap3A_297 = tpu.memref_squeeze %swap3A_296 : memref<1x1x80xi32, #tpu.memory_space<vmem>> -> memref<1x80xi32, #tpu.memory_space<vmem>>
    %swap3A_298 = arith.constant 0 : i32
    %swap3A_299 = tpu.memref_slice %swap3A_297[%swap3A_293, %swap3A_298] : memref<1x80xi32, #tpu.memory_space<vmem>> -> memref<1x80xi32, #tpu.memory_space<vmem>>
    %swap3A_300 = tpu.memref_squeeze %swap3A_299 : memref<1x80xi32, #tpu.memory_space<vmem>> -> memref<80xi32, #tpu.memory_space<vmem>>
    %swap3A_301 = arith.constant 64 : index
    %swap3A_302 = tpu.vector_load %swap3A_300[%swap3A_301] {strides = array<i32>} : memref<80xi32, #tpu.memory_space<vmem>>, vector<16xi32>,
    %swap3A_303 = vector.shape_cast %swap3A_302 : vector<16xi32> to vector<16xi32>
    %swap3A_304 = vector.shape_cast %get3A_291 : vector<16xi32> to vector<16xi32>
    tpu.vector_store %swap3A_300[%swap3A_301], %swap3A_304 {strides = array<i32>} : memref<80xi32, #tpu.memory_space<vmem>>, vector<16xi32>,
    %dma_start3A_305 = arith.constant 1 : i32
    %dma_start3A_306 = arith.constant 0 : i32
    %dma_start3A_307 = arith.constant 1 : i32
    %dma_start3A_308 = arith.constant 0 : i32
    %dma_start3A_309 = arith.constant 0 : i32
    %dma_start3A_310 = tpu.memref_slice %arg7[%dma_start3A_307, %dma_start3A_308, %dma_start3A_309] : memref<2x80x128xf32, #tpu.memory_space<vmem>> -> memref<1x80x128xf32, #tpu.memory_space<vmem>>
    %dma_start3A_311 = tpu.memref_squeeze %dma_start3A_310 : memref<1x80x128xf32, #tpu.memory_space<vmem>> -> memref<80x128xf32, #tpu.memory_space<vmem>>
    %dma_start3A_312 = arith.constant 0 : i32
    %dma_start3A_313 = arith.constant 0 : i32
    %dma_start3A_314 = tpu.memref_slice %arg6[%dma_start3A_305, %dma_start3A_312, %dma_start3A_313] : memref<2x1x80xi32, #tpu.memory_space<vmem>> -> memref<1x1x80xi32, #tpu.memory_space<vmem>>
    %dma_start3A_315 = tpu.memref_squeeze %dma_start3A_314 : memref<1x1x80xi32, #tpu.memory_space<vmem>> -> memref<1x80xi32, #tpu.memory_space<vmem>>
    %dma_start3A_316 = arith.constant 0 : i32
    %dma_start3A_317 = tpu.memref_slice %dma_start3A_315[%dma_start3A_306, %dma_start3A_316] : memref<1x80xi32, #tpu.memory_space<vmem>> -> memref<1x80xi32, #tpu.memory_space<vmem>>
    %dma_start3A_318 = tpu.memref_squeeze %dma_start3A_317 : memref<1x80xi32, #tpu.memory_space<vmem>> -> memref<80xi32, #tpu.memory_space<vmem>>
    %dma_start3A_319 = arith.constant 0 : i32
    %dma_start3A_320 = arith.constant 0 : i32
    %dma_start3A_321 = tpu.memref_slice %arg8[%dma_start3A_319, %dma_start3A_320] : memref<192x128xf32, #tpu.memory_space<vmem_shared>> -> memref<192x128xf32, #tpu.memory_space<vmem_shared>>
    tpu.enqueue_indirect_dma source(%dma_start3A_321 : memref<192x128xf32, #tpu.memory_space<vmem_shared>>) target(%dma_start3A_311 : memref<80x128xf32, #tpu.memory_space<vmem>>) offsets(%dma_start3A_318 : memref<80xi32, #tpu.memory_space<vmem>>) semaphore(%arg10 : memref<!tpu.dma_semaphore, #tpu.memory_space<semaphore_mem>>)
    %dma_wait3A_322 = arith.constant 1 : i32
    %dma_wait3A_323 = arith.constant 0 : i32
    %dma_wait3A_324 = arith.constant 1 : i32
    %dma_wait3A_325 = arith.constant 0 : i32
    %dma_wait3A_326 = arith.constant 0 : i32
    %dma_wait3A_327 = tpu.memref_slice %arg7[%dma_wait3A_324, %dma_wait3A_325, %dma_wait3A_326] : memref<2x80x128xf32, #tpu.memory_space<vmem>> -> memref<1x80x128xf32, #tpu.memory_space<vmem>>
    %dma_wait3A_328 = tpu.memref_squeeze %dma_wait3A_327 : memref<1x80x128xf32, #tpu.memory_space<vmem>> -> memref<80x128xf32, #tpu.memory_space<vmem>>
    %dma_wait3A_329 = arith.constant 0 : i32
    %dma_wait3A_330 = arith.constant 0 : i32
    %dma_wait3A_331 = tpu.memref_slice %arg6[%dma_wait3A_322, %dma_wait3A_329, %dma_wait3A_330] : memref<2x1x80xi32, #tpu.memory_space<vmem>> -> memref<1x1x80xi32, #tpu.memory_space<vmem>>
    %dma_wait3A_332 = tpu.memref_squeeze %dma_wait3A_331 : memref<1x1x80xi32, #tpu.memory_space<vmem>> -> memref<1x80xi32, #tpu.memory_space<vmem>>
    %dma_wait3A_333 = arith.constant 0 : i32
    %dma_wait3A_334 = tpu.memref_slice %dma_wait3A_332[%dma_wait3A_323, %dma_wait3A_333] : memref<1x80xi32, #tpu.memory_space<vmem>> -> memref<1x80xi32, #tpu.memory_space<vmem>>
    %dma_wait3A_335 = tpu.memref_squeeze %dma_wait3A_334 : memref<1x80xi32, #tpu.memory_space<vmem>> -> memref<80xi32, #tpu.memory_space<vmem>>
    %dma_wait3A_336 = arith.constant 0 : i32
    %dma_wait3A_337 = arith.constant 0 : i32
    %dma_wait3A_338 = tpu.memref_slice %arg8[%dma_wait3A_336, %dma_wait3A_337] : memref<192x128xf32, #tpu.memory_space<vmem_shared>> -> memref<192x128xf32, #tpu.memory_space<vmem_shared>>
    tpu.wait_indirect_dma semaphore(%arg10 : memref<!tpu.dma_semaphore, #tpu.memory_space<semaphore_mem>>) src(%dma_wait3A_338 : memref<192x128xf32, #tpu.memory_space<vmem_shared>>) dst(%dma_wait3A_328 : memref<80x128xf32, #tpu.memory_space<vmem>>)
    %add3A_339 = arith.constant 4 : i32
    %add3A_340 = arith.addi %mul3A_4, %add3A_339 : i32
    %add3A_341 = arith.constant 0 : i32
    %add3A_342 = arith.addi %add3A_340, %add3A_341 : i32
    %dma_start3A_343 = arith.constant 1 : i32
    %dma_start3A_344 = arith.constant 0 : i32
    %dma_start3A_345 = arith.constant 0 : i32
    %dma_start3A_346 = tpu.memref_slice %arg7[%dma_start3A_343, %dma_start3A_344, %dma_start3A_345] : memref<2x80x128xf32, #tpu.memory_space<vmem>> -> memref<1x80x128xf32, #tpu.memory_space<vmem>>
    %dma_start3A_347 = tpu.memref_squeeze %dma_start3A_346 : memref<1x80x128xf32, #tpu.memory_space<vmem>> -> memref<80x128xf32, #tpu.memory_space<vmem>>
    %dma_start3A_348 = arith.constant 0 : i32
    %dma_start3A_349 = arith.constant 0 : i32
    %dma_start3A_350 = tpu.memref_slice %dma_start3A_347[%dma_start3A_348, %dma_start3A_349] : memref<80x128xf32, #tpu.memory_space<vmem>> -> memref<20x128xf32, #tpu.memory_space<vmem>>
    %dma_start3A_351 = arith.constant 0 : i32
    %dma_start3A_352 = arith.constant 0 : i32
    %dma_start3A_353 = tpu.memref_slice %arg4[%add3A_342, %dma_start3A_351, %dma_start3A_352] : memref<16384x20x128xf32, #tpu.memory_space<hbm>> -> memref<1x20x128xf32, #tpu.memory_space<hbm>>
    %dma_start3A_354 = tpu.memref_squeeze %dma_start3A_353 : memref<1x20x128xf32, #tpu.memory_space<hbm>> -> memref<20x128xf32, #tpu.memory_space<hbm>>
    %dma_start3A_355 = arith.constant 0 : i32
    %dma_start3A_356 = arith.constant 0 : i32
    %dma_start3A_357 = tpu.memref_slice %arg4[%add3A_342, %dma_start3A_355, %dma_start3A_356] : memref<16384x20x128xf32, #tpu.memory_space<hbm>> -> memref<1x20x128xf32, #tpu.memory_space<hbm>>
    %dma_start3A_358 = tpu.memref_squeeze %dma_start3A_357 : memref<1x20x128xf32, #tpu.memory_space<hbm>> -> memref<20x128xf32, #tpu.memory_space<hbm>>
    %dma_start3A_359 = arith.constant 0 : i32
    %dma_start3A_360 = arith.constant 0 : i32
    %dma_start3A_361 = tpu.memref_slice %arg7[%dma_start3A_343, %dma_start3A_359, %dma_start3A_360] : memref<2x80x128xf32, #tpu.memory_space<vmem>> -> memref<1x80x128xf32, #tpu.memory_space<vmem>>
    %dma_start3A_362 = tpu.memref_squeeze %dma_start3A_361 : memref<1x80x128xf32, #tpu.memory_space<vmem>> -> memref<80x128xf32, #tpu.memory_space<vmem>>
    %dma_start3A_363 = arith.constant 0 : i32
    %dma_start3A_364 = arith.constant 0 : i32
    %dma_start3A_365 = tpu.memref_slice %dma_start3A_362[%dma_start3A_363, %dma_start3A_364] : memref<80x128xf32, #tpu.memory_space<vmem>> -> memref<20x128xf32, #tpu.memory_space<vmem>>
    tpu.enqueue_dma source(%dma_start3A_365 : memref<20x128xf32, #tpu.memory_space<vmem>>) target(%dma_start3A_358 : memref<20x128xf32, #tpu.memory_space<hbm>>) target_semaphore(%arg12 : memref<!tpu.dma_semaphore, #tpu.memory_space<semaphore_mem>>)
    %add3A_366 = arith.constant 4 : i32
    %add3A_367 = arith.addi %mul3A_4, %add3A_366 : i32
    %add3A_368 = arith.constant 1 : i32
    %add3A_369 = arith.addi %add3A_367, %add3A_368 : i32
    %dma_start3A_370 = arith.constant 1 : i32
    %dma_start3A_371 = arith.constant 0 : i32
    %dma_start3A_372 = arith.constant 0 : i32
    %dma_start3A_373 = tpu.memref_slice %arg7[%dma_start3A_370, %dma_start3A_371, %dma_start3A_372] : memref<2x80x128xf32, #tpu.memory_space<vmem>> -> memref<1x80x128xf32, #tpu.memory_space<vmem>>
    %dma_start3A_374 = tpu.memref_squeeze %dma_start3A_373 : memref<1x80x128xf32, #tpu.memory_space<vmem>> -> memref<80x128xf32, #tpu.memory_space<vmem>>
    %dma_start3A_375 = arith.constant 20 : i32
    %dma_start3A_376 = arith.constant 0 : i32
    %dma_start3A_377 = tpu.memref_slice %dma_start3A_374[%dma_start3A_375, %dma_start3A_376] : memref<80x128xf32, #tpu.memory_space<vmem>> -> memref<20x128xf32, #tpu.memory_space<vmem>>
    %dma_start3A_378 = arith.constant 0 : i32
    %dma_start3A_379 = arith.constant 0 : i32
    %dma_start3A_380 = tpu.memref_slice %arg4[%add3A_369, %dma_start3A_378, %dma_start3A_379] : memref<16384x20x128xf32, #tpu.memory_space<hbm>> -> memref<1x20x128xf32, #tpu.memory_space<hbm>>
    %dma_start3A_381 = tpu.memref_squeeze %dma_start3A_380 : memref<1x20x128xf32, #tpu.memory_space<hbm>> -> memref<20x128xf32, #tpu.memory_space<hbm>>
    %dma_start3A_382 = arith.constant 0 : i32
    %dma_start3A_383 = arith.constant 0 : i32
    %dma_start3A_384 = tpu.memref_slice %arg4[%add3A_369, %dma_start3A_382, %dma_start3A_383] : memref<16384x20x128xf32, #tpu.memory_space<hbm>> -> memref<1x20x128xf32, #tpu.memory_space<hbm>>
    %dma_start3A_385 = tpu.memref_squeeze %dma_start3A_384 : memref<1x20x128xf32, #tpu.memory_space<hbm>> -> memref<20x128xf32, #tpu.memory_space<hbm>>
    %dma_start3A_386 = arith.constant 0 : i32
    %dma_start3A_387 = arith.constant 0 : i32
    %dma_start3A_388 = tpu.memref_slice %arg7[%dma_start3A_370, %dma_start3A_386, %dma_start3A_387] : memref<2x80x128xf32, #tpu.memory_space<vmem>> -> memref<1x80x128xf32, #tpu.memory_space<vmem>>
    %dma_start3A_389 = tpu.memref_squeeze %dma_start3A_388 : memref<1x80x128xf32, #tpu.memory_space<vmem>> -> memref<80x128xf32, #tpu.memory_space<vmem>>
    %dma_start3A_390 = arith.constant 20 : i32
    %dma_start3A_391 = arith.constant 0 : i32
    %dma_start3A_392 = tpu.memref_slice %dma_start3A_389[%dma_start3A_390, %dma_start3A_391] : memref<80x128xf32, #tpu.memory_space<vmem>> -> memref<20x128xf32, #tpu.memory_space<vmem>>
    tpu.enqueue_dma source(%dma_start3A_392 : memref<20x128xf32, #tpu.memory_space<vmem>>) target(%dma_start3A_385 : memref<20x128xf32, #tpu.memory_space<hbm>>) target_semaphore(%arg12 : memref<!tpu.dma_semaphore, #tpu.memory_space<semaphore_mem>>)
    %add3A_393 = arith.constant 4 : i32
    %add3A_394 = arith.addi %mul3A_4, %add3A_393 : i32
    %add3A_395 = arith.constant 2 : i32
    %add3A_396 = arith.addi %add3A_394, %add3A_395 : i32
    %dma_start3A_397 = arith.constant 1 : i32
    %dma_start3A_398 = arith.constant 0 : i32
    %dma_start3A_399 = arith.constant 0 : i32
    %dma_start3A_400 = tpu.memref_slice %arg7[%dma_start3A_397, %dma_start3A_398, %dma_start3A_399] : memref<2x80x128xf32, #tpu.memory_space<vmem>> -> memref<1x80x128xf32, #tpu.memory_space<vmem>>
    %dma_start3A_401 = tpu.memref_squeeze %dma_start3A_400 : memref<1x80x128xf32, #tpu.memory_space<vmem>> -> memref<80x128xf32, #tpu.memory_space<vmem>>
    %dma_start3A_402 = arith.constant 40 : i32
    %dma_start3A_403 = arith.constant 0 : i32
    %dma_start3A_404 = tpu.memref_slice %dma_start3A_401[%dma_start3A_402, %dma_start3A_403] : memref<80x128xf32, #tpu.memory_space<vmem>> -> memref<20x128xf32, #tpu.memory_space<vmem>>
    %dma_start3A_405 = arith.constant 0 : i32
    %dma_start3A_406 = arith.constant 0 : i32
    %dma_start3A_407 = tpu.memref_slice %arg4[%add3A_396, %dma_start3A_405, %dma_start3A_406] : memref<16384x20x128xf32, #tpu.memory_space<hbm>> -> memref<1x20x128xf32, #tpu.memory_space<hbm>>
    %dma_start3A_408 = tpu.memref_squeeze %dma_start3A_407 : memref<1x20x128xf32, #tpu.memory_space<hbm>> -> memref<20x128xf32, #tpu.memory_space<hbm>>
    %dma_start3A_409 = arith.constant 0 : i32
    %dma_start3A_410 = arith.constant 0 : i32
    %dma_start3A_411 = tpu.memref_slice %arg4[%add3A_396, %dma_start3A_409, %dma_start3A_410] : memref<16384x20x128xf32, #tpu.memory_space<hbm>> -> memref<1x20x128xf32, #tpu.memory_space<hbm>>
    %dma_start3A_412 = tpu.memref_squeeze %dma_start3A_411 : memref<1x20x128xf32, #tpu.memory_space<hbm>> -> memref<20x128xf32, #tpu.memory_space<hbm>>
    %dma_start3A_413 = arith.constant 0 : i32
    %dma_start3A_414 = arith.constant 0 : i32
    %dma_start3A_415 = tpu.memref_slice %arg7[%dma_start3A_397, %dma_start3A_413, %dma_start3A_414] : memref<2x80x128xf32, #tpu.memory_space<vmem>> -> memref<1x80x128xf32, #tpu.memory_space<vmem>>
    %dma_start3A_416 = tpu.memref_squeeze %dma_start3A_415 : memref<1x80x128xf32, #tpu.memory_space<vmem>> -> memref<80x128xf32, #tpu.memory_space<vmem>>
    %dma_start3A_417 = arith.constant 40 : i32
    %dma_start3A_418 = arith.constant 0 : i32
    %dma_start3A_419 = tpu.memref_slice %dma_start3A_416[%dma_start3A_417, %dma_start3A_418] : memref<80x128xf32, #tpu.memory_space<vmem>> -> memref<20x128xf32, #tpu.memory_space<vmem>>
    tpu.enqueue_dma source(%dma_start3A_419 : memref<20x128xf32, #tpu.memory_space<vmem>>) target(%dma_start3A_412 : memref<20x128xf32, #tpu.memory_space<hbm>>) target_semaphore(%arg12 : memref<!tpu.dma_semaphore, #tpu.memory_space<semaphore_mem>>)
    %add3A_420 = arith.constant 4 : i32
    %add3A_421 = arith.addi %mul3A_4, %add3A_420 : i32
    %add3A_422 = arith.constant 3 : i32
    %add3A_423 = arith.addi %add3A_421, %add3A_422 : i32
    %dma_start3A_424 = arith.constant 1 : i32
    %dma_start3A_425 = arith.constant 0 : i32
    %dma_start3A_426 = arith.constant 0 : i32
    %dma_start3A_427 = tpu.memref_slice %arg7[%dma_start3A_424, %dma_start3A_425, %dma_start3A_426] : memref<2x80x128xf32, #tpu.memory_space<vmem>> -> memref<1x80x128xf32, #tpu.memory_space<vmem>>
    %dma_start3A_428 = tpu.memref_squeeze %dma_start3A_427 : memref<1x80x128xf32, #tpu.memory_space<vmem>> -> memref<80x128xf32, #tpu.memory_space<vmem>>
    %dma_start3A_429 = arith.constant 60 : i32
    %dma_start3A_430 = arith.constant 0 : i32
    %dma_start3A_431 = tpu.memref_slice %dma_start3A_428[%dma_start3A_429, %dma_start3A_430] : memref<80x128xf32, #tpu.memory_space<vmem>> -> memref<20x128xf32, #tpu.memory_space<vmem>>
    %dma_start3A_432 = arith.constant 0 : i32
    %dma_start3A_433 = arith.constant 0 : i32
    %dma_start3A_434 = tpu.memref_slice %arg4[%add3A_423, %dma_start3A_432, %dma_start3A_433] : memref<16384x20x128xf32, #tpu.memory_space<hbm>> -> memref<1x20x128xf32, #tpu.memory_space<hbm>>
    %dma_start3A_435 = tpu.memref_squeeze %dma_start3A_434 : memref<1x20x128xf32, #tpu.memory_space<hbm>> -> memref<20x128xf32, #tpu.memory_space<hbm>>
    %dma_start3A_436 = arith.constant 0 : i32
    %dma_start3A_437 = arith.constant 0 : i32
    %dma_start3A_438 = tpu.memref_slice %arg4[%add3A_423, %dma_start3A_436, %dma_start3A_437] : memref<16384x20x128xf32, #tpu.memory_space<hbm>> -> memref<1x20x128xf32, #tpu.memory_space<hbm>>
    %dma_start3A_439 = tpu.memref_squeeze %dma_start3A_438 : memref<1x20x128xf32, #tpu.memory_space<hbm>> -> memref<20x128xf32, #tpu.memory_space<hbm>>
    %dma_start3A_440 = arith.constant 0 : i32
    %dma_start3A_441 = arith.constant 0 : i32
    %dma_start3A_442 = tpu.memref_slice %arg7[%dma_start3A_424, %dma_start3A_440, %dma_start3A_441] : memref<2x80x128xf32, #tpu.memory_space<vmem>> -> memref<1x80x128xf32, #tpu.memory_space<vmem>>
    %dma_start3A_443 = tpu.memref_squeeze %dma_start3A_442 : memref<1x80x128xf32, #tpu.memory_space<vmem>> -> memref<80x128xf32, #tpu.memory_space<vmem>>
    %dma_start3A_444 = arith.constant 60 : i32
    %dma_start3A_445 = arith.constant 0 : i32
    %dma_start3A_446 = tpu.memref_slice %dma_start3A_443[%dma_start3A_444, %dma_start3A_445] : memref<80x128xf32, #tpu.memory_space<vmem>> -> memref<20x128xf32, #tpu.memory_space<vmem>>
    tpu.enqueue_dma source(%dma_start3A_446 : memref<20x128xf32, #tpu.memory_space<vmem>>) target(%dma_start3A_439 : memref<20x128xf32, #tpu.memory_space<hbm>>) target_semaphore(%arg12 : memref<!tpu.dma_semaphore, #tpu.memory_space<semaphore_mem>>)
    %scan3A = arith.constant 0 : i32
    %scan3A_447 = arith.constant 1 : i32
    %scan3A_448 = arith.constant 63 : i32
    %scan3A_449 = arith.addi %scan3A_447, %scan3A_448 : i32
    %scan3A_450 = arith.constant 1 : i32
    scf.for %scan3A_636 = %scan3A_447 to %scan3A_449 step %scan3A_450  : i32 {
      %mul3A_637 = arith.constant 2 : i32
      %mul3A_638 = arith.muli %mul3A_637, %scan3A_636 : i32
      %add3A_639 = arith.constant 0 : i32
      %add3A_640 = arith.addi %mul3A_638, %add3A_639 : i32
      %mul3A_641 = arith.constant 80 : i32
      %mul3A_642 = arith.muli %add3A_640, %mul3A_641 : i32
      %add3A_643 = arith.constant 0 : i32
      %add3A_644 = arith.addi %mul3A_642, %add3A_643 : i32
      %get3A_645 = arith.index_cast %add3A_644 : i32 to index
      %get3A_646 = tpu.vector_load %arg5[%get3A_645] {strides = array<i32>} : memref<10240xi32, #tpu.memory_space<vmem>>, vector<16xi32>,
      %get3A_647 = vector.shape_cast %get3A_646 : vector<16xi32> to vector<16xi32>
      %swap3A_648 = arith.constant 0 : i32
      %swap3A_649 = arith.constant 0 : i32
      %swap3A_650 = arith.constant 0 : i32
      %swap3A_651 = arith.constant 0 : i32
      %swap3A_652 = tpu.memref_slice %arg6[%swap3A_648, %swap3A_650, %swap3A_651] : memref<2x1x80xi32, #tpu.memory_space<vmem>> -> memref<1x1x80xi32, #tpu.memory_space<vmem>>
      %swap3A_653 = tpu.memref_squeeze %swap3A_652 : memref<1x1x80xi32, #tpu.memory_space<vmem>> -> memref<1x80xi32, #tpu.memory_space<vmem>>
      %swap3A_654 = arith.constant 0 : i32
      %swap3A_655 = tpu.memref_slice %swap3A_653[%swap3A_649, %swap3A_654] : memref<1x80xi32, #tpu.memory_space<vmem>> -> memref<1x80xi32, #tpu.memory_space<vmem>>
      %swap3A_656 = tpu.memref_squeeze %swap3A_655 : memref<1x80xi32, #tpu.memory_space<vmem>> -> memref<80xi32, #tpu.memory_space<vmem>>
      %swap3A_657 = arith.constant 0 : index
      %swap3A_658 = tpu.vector_load %swap3A_656[%swap3A_657] {strides = array<i32>} : memref<80xi32, #tpu.memory_space<vmem>>, vector<16xi32>,
      %swap3A_659 = vector.shape_cast %swap3A_658 : vector<16xi32> to vector<16xi32>
      %swap3A_660 = vector.shape_cast %get3A_647 : vector<16xi32> to vector<16xi32>
      tpu.vector_store %swap3A_656[%swap3A_657], %swap3A_660 {strides = array<i32>} : memref<80xi32, #tpu.memory_space<vmem>>, vector<16xi32>,
      %mul3A_661 = arith.constant 80 : i32
      %mul3A_662 = arith.muli %add3A_640, %mul3A_661 : i32
      %add3A_663 = arith.constant 16 : i32
      %add3A_664 = arith.addi %mul3A_662, %add3A_663 : i32
      %get3A_665 = arith.index_cast %add3A_664 : i32 to index
      %get3A_666 = tpu.vector_load %arg5[%get3A_665] {strides = array<i32>} : memref<10240xi32, #tpu.memory_space<vmem>>, vector<16xi32>,
      %get3A_667 = vector.shape_cast %get3A_666 : vector<16xi32> to vector<16xi32>
      %swap3A_668 = arith.constant 0 : i32
      %swap3A_669 = arith.constant 0 : i32
      %swap3A_670 = arith.constant 0 : i32
      %swap3A_671 = arith.constant 0 : i32
      %swap3A_672 = tpu.memref_slice %arg6[%swap3A_668, %swap3A_670, %swap3A_671] : memref<2x1x80xi32, #tpu.memory_space<vmem>> -> memref<1x1x80xi32, #tpu.memory_space<vmem>>
      %swap3A_673 = tpu.memref_squeeze %swap3A_672 : memref<1x1x80xi32, #tpu.memory_space<vmem>> -> memref<1x80xi32, #tpu.memory_space<vmem>>
      %swap3A_674 = arith.constant 0 : i32
      %swap3A_675 = tpu.memref_slice %swap3A_673[%swap3A_669, %swap3A_674] : memref<1x80xi32, #tpu.memory_space<vmem>> -> memref<1x80xi32, #tpu.memory_space<vmem>>
      %swap3A_676 = tpu.memref_squeeze %swap3A_675 : memref<1x80xi32, #tpu.memory_space<vmem>> -> memref<80xi32, #tpu.memory_space<vmem>>
      %swap3A_677 = arith.constant 16 : index
      %swap3A_678 = tpu.vector_load %swap3A_676[%swap3A_677] {strides = array<i32>} : memref<80xi32, #tpu.memory_space<vmem>>, vector<16xi32>,
      %swap3A_679 = vector.shape_cast %swap3A_678 : vector<16xi32> to vector<16xi32>
      %swap3A_680 = vector.shape_cast %get3A_667 : vector<16xi32> to vector<16xi32>
      tpu.vector_store %swap3A_676[%swap3A_677], %swap3A_680 {strides = array<i32>} : memref<80xi32, #tpu.memory_space<vmem>>, vector<16xi32>,
      %mul3A_681 = arith.constant 80 : i32
      %mul3A_682 = arith.muli %add3A_640, %mul3A_681 : i32
      %add3A_683 = arith.constant 32 : i32
      %add3A_684 = arith.addi %mul3A_682, %add3A_683 : i32
      %get3A_685 = arith.index_cast %add3A_684 : i32 to index
      %get3A_686 = tpu.vector_load %arg5[%get3A_685] {strides = array<i32>} : memref<10240xi32, #tpu.memory_space<vmem>>, vector<16xi32>,
      %get3A_687 = vector.shape_cast %get3A_686 : vector<16xi32> to vector<16xi32>
      %swap3A_688 = arith.constant 0 : i32
      %swap3A_689 = arith.constant 0 : i32
      %swap3A_690 = arith.constant 0 : i32
      %swap3A_691 = arith.constant 0 : i32
      %swap3A_692 = tpu.memref_slice %arg6[%swap3A_688, %swap3A_690, %swap3A_691] : memref<2x1x80xi32, #tpu.memory_space<vmem>> -> memref<1x1x80xi32, #tpu.memory_space<vmem>>
      %swap3A_693 = tpu.memref_squeeze %swap3A_692 : memref<1x1x80xi32, #tpu.memory_space<vmem>> -> memref<1x80xi32, #tpu.memory_space<vmem>>
      %swap3A_694 = arith.constant 0 : i32
      %swap3A_695 = tpu.memref_slice %swap3A_693[%swap3A_689, %swap3A_694] : memref<1x80xi32, #tpu.memory_space<vmem>> -> memref<1x80xi32, #tpu.memory_space<vmem>>
      %swap3A_696 = tpu.memref_squeeze %swap3A_695 : memref<1x80xi32, #tpu.memory_space<vmem>> -> memref<80xi32, #tpu.memory_space<vmem>>
      %swap3A_697 = arith.constant 32 : index
      %swap3A_698 = tpu.vector_load %swap3A_696[%swap3A_697] {strides = array<i32>} : memref<80xi32, #tpu.memory_space<vmem>>, vector<16xi32>,
      %swap3A_699 = vector.shape_cast %swap3A_698 : vector<16xi32> to vector<16xi32>
      %swap3A_700 = vector.shape_cast %get3A_687 : vector<16xi32> to vector<16xi32>
      tpu.vector_store %swap3A_696[%swap3A_697], %swap3A_700 {strides = array<i32>} : memref<80xi32, #tpu.memory_space<vmem>>, vector<16xi32>,
      %mul3A_701 = arith.constant 80 : i32
      %mul3A_702 = arith.muli %add3A_640, %mul3A_701 : i32
      %add3A_703 = arith.constant 48 : i32
      %add3A_704 = arith.addi %mul3A_702, %add3A_703 : i32
      %get3A_705 = arith.index_cast %add3A_704 : i32 to index
      %get3A_706 = tpu.vector_load %arg5[%get3A_705] {strides = array<i32>} : memref<10240xi32, #tpu.memory_space<vmem>>, vector<16xi32>,
      %get3A_707 = vector.shape_cast %get3A_706 : vector<16xi32> to vector<16xi32>
      %swap3A_708 = arith.constant 0 : i32
      %swap3A_709 = arith.constant 0 : i32
      %swap3A_710 = arith.constant 0 : i32
      %swap3A_711 = arith.constant 0 : i32
      %swap3A_712 = tpu.memref_slice %arg6[%swap3A_708, %swap3A_710, %swap3A_711] : memref<2x1x80xi32, #tpu.memory_space<vmem>> -> memref<1x1x80xi32, #tpu.memory_space<vmem>>
      %swap3A_713 = tpu.memref_squeeze %swap3A_712 : memref<1x1x80xi32, #tpu.memory_space<vmem>> -> memref<1x80xi32, #tpu.memory_space<vmem>>
      %swap3A_714 = arith.constant 0 : i32
      %swap3A_715 = tpu.memref_slice %swap3A_713[%swap3A_709, %swap3A_714] : memref<1x80xi32, #tpu.memory_space<vmem>> -> memref<1x80xi32, #tpu.memory_space<vmem>>
      %swap3A_716 = tpu.memref_squeeze %swap3A_715 : memref<1x80xi32, #tpu.memory_space<vmem>> -> memref<80xi32, #tpu.memory_space<vmem>>
      %swap3A_717 = arith.constant 48 : index
      %swap3A_718 = tpu.vector_load %swap3A_716[%swap3A_717] {strides = array<i32>} : memref<80xi32, #tpu.memory_space<vmem>>, vector<16xi32>,
      %swap3A_719 = vector.shape_cast %swap3A_718 : vector<16xi32> to vector<16xi32>
      %swap3A_720 = vector.shape_cast %get3A_707 : vector<16xi32> to vector<16xi32>
      tpu.vector_store %swap3A_716[%swap3A_717], %swap3A_720 {strides = array<i32>} : memref<80xi32, #tpu.memory_space<vmem>>, vector<16xi32>,
      %mul3A_721 = arith.constant 80 : i32
      %mul3A_722 = arith.muli %add3A_640, %mul3A_721 : i32
      %add3A_723 = arith.constant 64 : i32
      %add3A_724 = arith.addi %mul3A_722, %add3A_723 : i32
      %get3A_725 = arith.index_cast %add3A_724 : i32 to index
      %get3A_726 = tpu.vector_load %arg5[%get3A_725] {strides = array<i32>} : memref<10240xi32, #tpu.memory_space<vmem>>, vector<16xi32>,
      %get3A_727 = vector.shape_cast %get3A_726 : vector<16xi32> to vector<16xi32>
      %swap3A_728 = arith.constant 0 : i32
      %swap3A_729 = arith.constant 0 : i32
      %swap3A_730 = arith.constant 0 : i32
      %swap3A_731 = arith.constant 0 : i32
      %swap3A_732 = tpu.memref_slice %arg6[%swap3A_728, %swap3A_730, %swap3A_731] : memref<2x1x80xi32, #tpu.memory_space<vmem>> -> memref<1x1x80xi32, #tpu.memory_space<vmem>>
      %swap3A_733 = tpu.memref_squeeze %swap3A_732 : memref<1x1x80xi32, #tpu.memory_space<vmem>> -> memref<1x80xi32, #tpu.memory_space<vmem>>
      %swap3A_734 = arith.constant 0 : i32
      %swap3A_735 = tpu.memref_slice %swap3A_733[%swap3A_729, %swap3A_734] : memref<1x80xi32, #tpu.memory_space<vmem>> -> memref<1x80xi32, #tpu.memory_space<vmem>>
      %swap3A_736 = tpu.memref_squeeze %swap3A_735 : memref<1x80xi32, #tpu.memory_space<vmem>> -> memref<80xi32, #tpu.memory_space<vmem>>
      %swap3A_737 = arith.constant 64 : index
      %swap3A_738 = tpu.vector_load %swap3A_736[%swap3A_737] {strides = array<i32>} : memref<80xi32, #tpu.memory_space<vmem>>, vector<16xi32>,
      %swap3A_739 = vector.shape_cast %swap3A_738 : vector<16xi32> to vector<16xi32>
      %swap3A_740 = vector.shape_cast %get3A_727 : vector<16xi32> to vector<16xi32>
      tpu.vector_store %swap3A_736[%swap3A_737], %swap3A_740 {strides = array<i32>} : memref<80xi32, #tpu.memory_space<vmem>>, vector<16xi32>,
      %dma_wait3A_741 = arith.constant 0 : i32
      %dma_wait3A_742 = arith.constant 0 : i32
      %dma_wait3A_743 = arith.constant 0 : i32
      %dma_wait3A_744 = tpu.memref_slice %arg7[%dma_wait3A_741, %dma_wait3A_742, %dma_wait3A_743] : memref<2x80x128xf32, #tpu.memory_space<vmem>> -> memref<1x80x128xf32, #tpu.memory_space<vmem>>
      %dma_wait3A_745 = tpu.memref_squeeze %dma_wait3A_744 : memref<1x80x128xf32, #tpu.memory_space<vmem>> -> memref<80x128xf32, #tpu.memory_space<vmem>>
      %dma_wait3A_746 = arith.constant 0 : i32
      %dma_wait3A_747 = arith.constant 0 : i32
      %dma_wait3A_748 = tpu.memref_slice %dma_wait3A_745[%dma_wait3A_746, %dma_wait3A_747] : memref<80x128xf32, #tpu.memory_space<vmem>> -> memref<20x128xf32, #tpu.memory_space<vmem>>
      %dma_wait3A_749 = arith.constant 0 : i32
      %dma_wait3A_750 = arith.constant 0 : i32
      %dma_wait3A_751 = tpu.memref_slice %arg4[%mul3A_4, %dma_wait3A_749, %dma_wait3A_750] : memref<16384x20x128xf32, #tpu.memory_space<hbm>> -> memref<1x20x128xf32, #tpu.memory_space<hbm>>
      %dma_wait3A_752 = tpu.memref_squeeze %dma_wait3A_751 : memref<1x20x128xf32, #tpu.memory_space<hbm>> -> memref<20x128xf32, #tpu.memory_space<hbm>>
      %dma_wait3A_753 = arith.constant 0 : i32
      %dma_wait3A_754 = arith.constant 0 : i32
      %dma_wait3A_755 = tpu.memref_slice %arg4[%mul3A_4, %dma_wait3A_753, %dma_wait3A_754] : memref<16384x20x128xf32, #tpu.memory_space<hbm>> -> memref<1x20x128xf32, #tpu.memory_space<hbm>>
      %dma_wait3A_756 = tpu.memref_squeeze %dma_wait3A_755 : memref<1x20x128xf32, #tpu.memory_space<hbm>> -> memref<20x128xf32, #tpu.memory_space<hbm>>
      %dma_wait3A_757 = arith.constant 0 : i32
      %dma_wait3A_758 = arith.constant 0 : i32
      %dma_wait3A_759 = tpu.memref_slice %arg7[%dma_wait3A_741, %dma_wait3A_757, %dma_wait3A_758] : memref<2x80x128xf32, #tpu.memory_space<vmem>> -> memref<1x80x128xf32, #tpu.memory_space<vmem>>
      %dma_wait3A_760 = tpu.memref_squeeze %dma_wait3A_759 : memref<1x80x128xf32, #tpu.memory_space<vmem>> -> memref<80x128xf32, #tpu.memory_space<vmem>>
      %dma_wait3A_761 = arith.constant 0 : i32
      %dma_wait3A_762 = arith.constant 0 : i32
      %dma_wait3A_763 = tpu.memref_slice %dma_wait3A_760[%dma_wait3A_761, %dma_wait3A_762] : memref<80x128xf32, #tpu.memory_space<vmem>> -> memref<20x128xf32, #tpu.memory_space<vmem>>
      tpu.wait_dma2 semaphore(%arg11 : memref<!tpu.dma_semaphore, #tpu.memory_space<semaphore_mem>>) src(%dma_wait3A_763 : memref<20x128xf32, #tpu.memory_space<vmem>>) dst(%dma_wait3A_756 : memref<20x128xf32, #tpu.memory_space<hbm>>)
      %dma_wait3A_764 = arith.constant 0 : i32
      %dma_wait3A_765 = arith.constant 0 : i32
      %dma_wait3A_766 = arith.constant 0 : i32
      %dma_wait3A_767 = tpu.memref_slice %arg7[%dma_wait3A_764, %dma_wait3A_765, %dma_wait3A_766] : memref<2x80x128xf32, #tpu.memory_space<vmem>> -> memref<1x80x128xf32, #tpu.memory_space<vmem>>
      %dma_wait3A_768 = tpu.memref_squeeze %dma_wait3A_767 : memref<1x80x128xf32, #tpu.memory_space<vmem>> -> memref<80x128xf32, #tpu.memory_space<vmem>>
      %dma_wait3A_769 = arith.constant 20 : i32
      %dma_wait3A_770 = arith.constant 0 : i32
      %dma_wait3A_771 = tpu.memref_slice %dma_wait3A_768[%dma_wait3A_769, %dma_wait3A_770] : memref<80x128xf32, #tpu.memory_space<vmem>> -> memref<20x128xf32, #tpu.memory_space<vmem>>
      %dma_wait3A_772 = arith.constant 0 : i32
      %dma_wait3A_773 = arith.constant 0 : i32
      %dma_wait3A_774 = tpu.memref_slice %arg4[%mul3A_4, %dma_wait3A_772, %dma_wait3A_773] : memref<16384x20x128xf32, #tpu.memory_space<hbm>> -> memref<1x20x128xf32, #tpu.memory_space<hbm>>
      %dma_wait3A_775 = tpu.memref_squeeze %dma_wait3A_774 : memref<1x20x128xf32, #tpu.memory_space<hbm>> -> memref<20x128xf32, #tpu.memory_space<hbm>>
      %dma_wait3A_776 = arith.constant 0 : i32
      %dma_wait3A_777 = arith.constant 0 : i32
      %dma_wait3A_778 = tpu.memref_slice %arg4[%mul3A_4, %dma_wait3A_776, %dma_wait3A_777] : memref<16384x20x128xf32, #tpu.memory_space<hbm>> -> memref<1x20x128xf32, #tpu.memory_space<hbm>>
      %dma_wait3A_779 = tpu.memref_squeeze %dma_wait3A_778 : memref<1x20x128xf32, #tpu.memory_space<hbm>> -> memref<20x128xf32, #tpu.memory_space<hbm>>
      %dma_wait3A_780 = arith.constant 0 : i32
      %dma_wait3A_781 = arith.constant 0 : i32
      %dma_wait3A_782 = tpu.memref_slice %arg7[%dma_wait3A_764, %dma_wait3A_780, %dma_wait3A_781] : memref<2x80x128xf32, #tpu.memory_space<vmem>> -> memref<1x80x128xf32, #tpu.memory_space<vmem>>
      %dma_wait3A_783 = tpu.memref_squeeze %dma_wait3A_782 : memref<1x80x128xf32, #tpu.memory_space<vmem>> -> memref<80x128xf32, #tpu.memory_space<vmem>>
      %dma_wait3A_784 = arith.constant 20 : i32
      %dma_wait3A_785 = arith.constant 0 : i32
      %dma_wait3A_786 = tpu.memref_slice %dma_wait3A_783[%dma_wait3A_784, %dma_wait3A_785] : memref<80x128xf32, #tpu.memory_space<vmem>> -> memref<20x128xf32, #tpu.memory_space<vmem>>
      tpu.wait_dma2 semaphore(%arg11 : memref<!tpu.dma_semaphore, #tpu.memory_space<semaphore_mem>>) src(%dma_wait3A_786 : memref<20x128xf32, #tpu.memory_space<vmem>>) dst(%dma_wait3A_779 : memref<20x128xf32, #tpu.memory_space<hbm>>)
      %dma_wait3A_787 = arith.constant 0 : i32
      %dma_wait3A_788 = arith.constant 0 : i32
      %dma_wait3A_789 = arith.constant 0 : i32
      %dma_wait3A_790 = tpu.memref_slice %arg7[%dma_wait3A_787, %dma_wait3A_788, %dma_wait3A_789] : memref<2x80x128xf32, #tpu.memory_space<vmem>> -> memref<1x80x128xf32, #tpu.memory_space<vmem>>
      %dma_wait3A_791 = tpu.memref_squeeze %dma_wait3A_790 : memref<1x80x128xf32, #tpu.memory_space<vmem>> -> memref<80x128xf32, #tpu.memory_space<vmem>>
      %dma_wait3A_792 = arith.constant 40 : i32
      %dma_wait3A_793 = arith.constant 0 : i32
      %dma_wait3A_794 = tpu.memref_slice %dma_wait3A_791[%dma_wait3A_792, %dma_wait3A_793] : memref<80x128xf32, #tpu.memory_space<vmem>> -> memref<20x128xf32, #tpu.memory_space<vmem>>
      %dma_wait3A_795 = arith.constant 0 : i32
      %dma_wait3A_796 = arith.constant 0 : i32
      %dma_wait3A_797 = tpu.memref_slice %arg4[%mul3A_4, %dma_wait3A_795, %dma_wait3A_796] : memref<16384x20x128xf32, #tpu.memory_space<hbm>> -> memref<1x20x128xf32, #tpu.memory_space<hbm>>
      %dma_wait3A_798 = tpu.memref_squeeze %dma_wait3A_797 : memref<1x20x128xf32, #tpu.memory_space<hbm>> -> memref<20x128xf32, #tpu.memory_space<hbm>>
      %dma_wait3A_799 = arith.constant 0 : i32
      %dma_wait3A_800 = arith.constant 0 : i32
      %dma_wait3A_801 = tpu.memref_slice %arg4[%mul3A_4, %dma_wait3A_799, %dma_wait3A_800] : memref<16384x20x128xf32, #tpu.memory_space<hbm>> -> memref<1x20x128xf32, #tpu.memory_space<hbm>>
      %dma_wait3A_802 = tpu.memref_squeeze %dma_wait3A_801 : memref<1x20x128xf32, #tpu.memory_space<hbm>> -> memref<20x128xf32, #tpu.memory_space<hbm>>
      %dma_wait3A_803 = arith.constant 0 : i32
      %dma_wait3A_804 = arith.constant 0 : i32
      %dma_wait3A_805 = tpu.memref_slice %arg7[%dma_wait3A_787, %dma_wait3A_803, %dma_wait3A_804] : memref<2x80x128xf32, #tpu.memory_space<vmem>> -> memref<1x80x128xf32, #tpu.memory_space<vmem>>
      %dma_wait3A_806 = tpu.memref_squeeze %dma_wait3A_805 : memref<1x80x128xf32, #tpu.memory_space<vmem>> -> memref<80x128xf32, #tpu.memory_space<vmem>>
      %dma_wait3A_807 = arith.constant 40 : i32
      %dma_wait3A_808 = arith.constant 0 : i32
      %dma_wait3A_809 = tpu.memref_slice %dma_wait3A_806[%dma_wait3A_807, %dma_wait3A_808] : memref<80x128xf32, #tpu.memory_space<vmem>> -> memref<20x128xf32, #tpu.memory_space<vmem>>
      tpu.wait_dma2 semaphore(%arg11 : memref<!tpu.dma_semaphore, #tpu.memory_space<semaphore_mem>>) src(%dma_wait3A_809 : memref<20x128xf32, #tpu.memory_space<vmem>>) dst(%dma_wait3A_802 : memref<20x128xf32, #tpu.memory_space<hbm>>)
      %dma_wait3A_810 = arith.constant 0 : i32
      %dma_wait3A_811 = arith.constant 0 : i32
      %dma_wait3A_812 = arith.constant 0 : i32
      %dma_wait3A_813 = tpu.memref_slice %arg7[%dma_wait3A_810, %dma_wait3A_811, %dma_wait3A_812] : memref<2x80x128xf32, #tpu.memory_space<vmem>> -> memref<1x80x128xf32, #tpu.memory_space<vmem>>
      %dma_wait3A_814 = tpu.memref_squeeze %dma_wait3A_813 : memref<1x80x128xf32, #tpu.memory_space<vmem>> -> memref<80x128xf32, #tpu.memory_space<vmem>>
      %dma_wait3A_815 = arith.constant 60 : i32
      %dma_wait3A_816 = arith.constant 0 : i32
      %dma_wait3A_817 = tpu.memref_slice %dma_wait3A_814[%dma_wait3A_815, %dma_wait3A_816] : memref<80x128xf32, #tpu.memory_space<vmem>> -> memref<20x128xf32, #tpu.memory_space<vmem>>
      %dma_wait3A_818 = arith.constant 0 : i32
      %dma_wait3A_819 = arith.constant 0 : i32
      %dma_wait3A_820 = tpu.memref_slice %arg4[%mul3A_4, %dma_wait3A_818, %dma_wait3A_819] : memref<16384x20x128xf32, #tpu.memory_space<hbm>> -> memref<1x20x128xf32, #tpu.memory_space<hbm>>
      %dma_wait3A_821 = tpu.memref_squeeze %dma_wait3A_820 : memref<1x20x128xf32, #tpu.memory_space<hbm>> -> memref<20x128xf32, #tpu.memory_space<hbm>>
      %dma_wait3A_822 = arith.constant 0 : i32
      %dma_wait3A_823 = arith.constant 0 : i32
      %dma_wait3A_824 = tpu.memref_slice %arg4[%mul3A_4, %dma_wait3A_822, %dma_wait3A_823] : memref<16384x20x128xf32, #tpu.memory_space<hbm>> -> memref<1x20x128xf32, #tpu.memory_space<hbm>>
      %dma_wait3A_825 = tpu.memref_squeeze %dma_wait3A_824 : memref<1x20x128xf32, #tpu.memory_space<hbm>> -> memref<20x128xf32, #tpu.memory_space<hbm>>
      %dma_wait3A_826 = arith.constant 0 : i32
      %dma_wait3A_827 = arith.constant 0 : i32
      %dma_wait3A_828 = tpu.memref_slice %arg7[%dma_wait3A_810, %dma_wait3A_826, %dma_wait3A_827] : memref<2x80x128xf32, #tpu.memory_space<vmem>> -> memref<1x80x128xf32, #tpu.memory_space<vmem>>
      %dma_wait3A_829 = tpu.memref_squeeze %dma_wait3A_828 : memref<1x80x128xf32, #tpu.memory_space<vmem>> -> memref<80x128xf32, #tpu.memory_space<vmem>>
      %dma_wait3A_830 = arith.constant 60 : i32
      %dma_wait3A_831 = arith.constant 0 : i32
      %dma_wait3A_832 = tpu.memref_slice %dma_wait3A_829[%dma_wait3A_830, %dma_wait3A_831] : memref<80x128xf32, #tpu.memory_space<vmem>> -> memref<20x128xf32, #tpu.memory_space<vmem>>
      tpu.wait_dma2 semaphore(%arg11 : memref<!tpu.dma_semaphore, #tpu.memory_space<semaphore_mem>>) src(%dma_wait3A_832 : memref<20x128xf32, #tpu.memory_space<vmem>>) dst(%dma_wait3A_825 : memref<20x128xf32, #tpu.memory_space<hbm>>)
      %dma_start3A_833 = arith.constant 0 : i32
      %dma_start3A_834 = arith.constant 0 : i32
      %dma_start3A_835 = arith.constant 0 : i32
      %dma_start3A_836 = arith.constant 0 : i32
      %dma_start3A_837 = arith.constant 0 : i32
      %dma_start3A_838 = tpu.memref_slice %arg7[%dma_start3A_835, %dma_start3A_836, %dma_start3A_837] : memref<2x80x128xf32, #tpu.memory_space<vmem>> -> memref<1x80x128xf32, #tpu.memory_space<vmem>>
      %dma_start3A_839 = tpu.memref_squeeze %dma_start3A_838 : memref<1x80x128xf32, #tpu.memory_space<vmem>> -> memref<80x128xf32, #tpu.memory_space<vmem>>
      %dma_start3A_840 = arith.constant 0 : i32
      %dma_start3A_841 = arith.constant 0 : i32
      %dma_start3A_842 = tpu.memref_slice %arg6[%dma_start3A_833, %dma_start3A_840, %dma_start3A_841] : memref<2x1x80xi32, #tpu.memory_space<vmem>> -> memref<1x1x80xi32, #tpu.memory_space<vmem>>
      %dma_start3A_843 = tpu.memref_squeeze %dma_start3A_842 : memref<1x1x80xi32, #tpu.memory_space<vmem>> -> memref<1x80xi32, #tpu.memory_space<vmem>>
      %dma_start3A_844 = arith.constant 0 : i32
      %dma_start3A_845 = tpu.memref_slice %dma_start3A_843[%dma_start3A_834, %dma_start3A_844] : memref<1x80xi32, #tpu.memory_space<vmem>> -> memref<1x80xi32, #tpu.memory_space<vmem>>
      %dma_start3A_846 = tpu.memref_squeeze %dma_start3A_845 : memref<1x80xi32, #tpu.memory_space<vmem>> -> memref<80xi32, #tpu.memory_space<vmem>>
      %dma_start3A_847 = arith.constant 0 : i32
      %dma_start3A_848 = arith.constant 0 : i32
      %dma_start3A_849 = tpu.memref_slice %arg8[%dma_start3A_847, %dma_start3A_848] : memref<192x128xf32, #tpu.memory_space<vmem_shared>> -> memref<192x128xf32, #tpu.memory_space<vmem_shared>>
      tpu.enqueue_indirect_dma source(%dma_start3A_849 : memref<192x128xf32, #tpu.memory_space<vmem_shared>>) target(%dma_start3A_839 : memref<80x128xf32, #tpu.memory_space<vmem>>) offsets(%dma_start3A_846 : memref<80xi32, #tpu.memory_space<vmem>>) semaphore(%arg9 : memref<!tpu.dma_semaphore, #tpu.memory_space<semaphore_mem>>)
      %dma_wait3A_850 = arith.constant 0 : i32
      %dma_wait3A_851 = arith.constant 0 : i32
      %dma_wait3A_852 = arith.constant 0 : i32
      %dma_wait3A_853 = arith.constant 0 : i32
      %dma_wait3A_854 = arith.constant 0 : i32
      %dma_wait3A_855 = tpu.memref_slice %arg7[%dma_wait3A_852, %dma_wait3A_853, %dma_wait3A_854] : memref<2x80x128xf32, #tpu.memory_space<vmem>> -> memref<1x80x128xf32, #tpu.memory_space<vmem>>
      %dma_wait3A_856 = tpu.memref_squeeze %dma_wait3A_855 : memref<1x80x128xf32, #tpu.memory_space<vmem>> -> memref<80x128xf32, #tpu.memory_space<vmem>>
      %dma_wait3A_857 = arith.constant 0 : i32
      %dma_wait3A_858 = arith.constant 0 : i32
      %dma_wait3A_859 = tpu.memref_slice %arg6[%dma_wait3A_850, %dma_wait3A_857, %dma_wait3A_858] : memref<2x1x80xi32, #tpu.memory_space<vmem>> -> memref<1x1x80xi32, #tpu.memory_space<vmem>>
      %dma_wait3A_860 = tpu.memref_squeeze %dma_wait3A_859 : memref<1x1x80xi32, #tpu.memory_space<vmem>> -> memref<1x80xi32, #tpu.memory_space<vmem>>
      %dma_wait3A_861 = arith.constant 0 : i32
      %dma_wait3A_862 = tpu.memref_slice %dma_wait3A_860[%dma_wait3A_851, %dma_wait3A_861] : memref<1x80xi32, #tpu.memory_space<vmem>> -> memref<1x80xi32, #tpu.memory_space<vmem>>
      %dma_wait3A_863 = tpu.memref_squeeze %dma_wait3A_862 : memref<1x80xi32, #tpu.memory_space<vmem>> -> memref<80xi32, #tpu.memory_space<vmem>>
      %dma_wait3A_864 = arith.constant 0 : i32
      %dma_wait3A_865 = arith.constant 0 : i32
      %dma_wait3A_866 = tpu.memref_slice %arg8[%dma_wait3A_864, %dma_wait3A_865] : memref<192x128xf32, #tpu.memory_space<vmem_shared>> -> memref<192x128xf32, #tpu.memory_space<vmem_shared>>
      tpu.wait_indirect_dma semaphore(%arg9 : memref<!tpu.dma_semaphore, #tpu.memory_space<semaphore_mem>>) src(%dma_wait3A_866 : memref<192x128xf32, #tpu.memory_space<vmem_shared>>) dst(%dma_wait3A_856 : memref<80x128xf32, #tpu.memory_space<vmem>>)
      %mul3A_867 = arith.constant 4 : i32
      %mul3A_868 = arith.muli %add3A_640, %mul3A_867 : i32
      %add3A_869 = arith.addi %mul3A_4, %mul3A_868 : i32
      %add3A_870 = arith.constant 0 : i32
      %add3A_871 = arith.addi %add3A_869, %add3A_870 : i32
      %dma_start3A_872 = arith.constant 0 : i32
      %dma_start3A_873 = arith.constant 0 : i32
      %dma_start3A_874 = arith.constant 0 : i32
      %dma_start3A_875 = tpu.memref_slice %arg7[%dma_start3A_872, %dma_start3A_873, %dma_start3A_874] : memref<2x80x128xf32, #tpu.memory_space<vmem>> -> memref<1x80x128xf32, #tpu.memory_space<vmem>>
      %dma_start3A_876 = tpu.memref_squeeze %dma_start3A_875 : memref<1x80x128xf32, #tpu.memory_space<vmem>> -> memref<80x128xf32, #tpu.memory_space<vmem>>
      %dma_start3A_877 = arith.constant 0 : i32
      %dma_start3A_878 = arith.constant 0 : i32
      %dma_start3A_879 = tpu.memref_slice %dma_start3A_876[%dma_start3A_877, %dma_start3A_878] : memref<80x128xf32, #tpu.memory_space<vmem>> -> memref<20x128xf32, #tpu.memory_space<vmem>>
      %dma_start3A_880 = arith.constant 0 : i32
      %dma_start3A_881 = arith.constant 0 : i32
      %dma_start3A_882 = tpu.memref_slice %arg4[%add3A_871, %dma_start3A_880, %dma_start3A_881] : memref<16384x20x128xf32, #tpu.memory_space<hbm>> -> memref<1x20x128xf32, #tpu.memory_space<hbm>>
      %dma_start3A_883 = tpu.memref_squeeze %dma_start3A_882 : memref<1x20x128xf32, #tpu.memory_space<hbm>> -> memref<20x128xf32, #tpu.memory_space<hbm>>
      %dma_start3A_884 = arith.constant 0 : i32
      %dma_start3A_885 = arith.constant 0 : i32
      %dma_start3A_886 = tpu.memref_slice %arg4[%add3A_871, %dma_start3A_884, %dma_start3A_885] : memref<16384x20x128xf32, #tpu.memory_space<hbm>> -> memref<1x20x128xf32, #tpu.memory_space<hbm>>
      %dma_start3A_887 = tpu.memref_squeeze %dma_start3A_886 : memref<1x20x128xf32, #tpu.memory_space<hbm>> -> memref<20x128xf32, #tpu.memory_space<hbm>>
      %dma_start3A_888 = arith.constant 0 : i32
      %dma_start3A_889 = arith.constant 0 : i32
      %dma_start3A_890 = tpu.memref_slice %arg7[%dma_start3A_872, %dma_start3A_888, %dma_start3A_889] : memref<2x80x128xf32, #tpu.memory_space<vmem>> -> memref<1x80x128xf32, #tpu.memory_space<vmem>>
      %dma_start3A_891 = tpu.memref_squeeze %dma_start3A_890 : memref<1x80x128xf32, #tpu.memory_space<vmem>> -> memref<80x128xf32, #tpu.memory_space<vmem>>
      %dma_start3A_892 = arith.constant 0 : i32
      %dma_start3A_893 = arith.constant 0 : i32
      %dma_start3A_894 = tpu.memref_slice %dma_start3A_891[%dma_start3A_892, %dma_start3A_893] : memref<80x128xf32, #tpu.memory_space<vmem>> -> memref<20x128xf32, #tpu.memory_space<vmem>>
      tpu.enqueue_dma source(%dma_start3A_894 : memref<20x128xf32, #tpu.memory_space<vmem>>) target(%dma_start3A_887 : memref<20x128xf32, #tpu.memory_space<hbm>>) target_semaphore(%arg11 : memref<!tpu.dma_semaphore, #tpu.memory_space<semaphore_mem>>)
      %mul3A_895 = arith.constant 4 : i32
      %mul3A_896 = arith.muli %add3A_640, %mul3A_895 : i32
      %add3A_897 = arith.addi %mul3A_4, %mul3A_896 : i32
      %add3A_898 = arith.constant 1 : i32
      %add3A_899 = arith.addi %add3A_897, %add3A_898 : i32
      %dma_start3A_900 = arith.constant 0 : i32
      %dma_start3A_901 = arith.constant 0 : i32
      %dma_start3A_902 = arith.constant 0 : i32
      %dma_start3A_903 = tpu.memref_slice %arg7[%dma_start3A_900, %dma_start3A_901, %dma_start3A_902] : memref<2x80x128xf32, #tpu.memory_space<vmem>> -> memref<1x80x128xf32, #tpu.memory_space<vmem>>
      %dma_start3A_904 = tpu.memref_squeeze %dma_start3A_903 : memref<1x80x128xf32, #tpu.memory_space<vmem>> -> memref<80x128xf32, #tpu.memory_space<vmem>>
      %dma_start3A_905 = arith.constant 20 : i32
      %dma_start3A_906 = arith.constant 0 : i32
      %dma_start3A_907 = tpu.memref_slice %dma_start3A_904[%dma_start3A_905, %dma_start3A_906] : memref<80x128xf32, #tpu.memory_space<vmem>> -> memref<20x128xf32, #tpu.memory_space<vmem>>
      %dma_start3A_908 = arith.constant 0 : i32
      %dma_start3A_909 = arith.constant 0 : i32
      %dma_start3A_910 = tpu.memref_slice %arg4[%add3A_899, %dma_start3A_908, %dma_start3A_909] : memref<16384x20x128xf32, #tpu.memory_space<hbm>> -> memref<1x20x128xf32, #tpu.memory_space<hbm>>
      %dma_start3A_911 = tpu.memref_squeeze %dma_start3A_910 : memref<1x20x128xf32, #tpu.memory_space<hbm>> -> memref<20x128xf32, #tpu.memory_space<hbm>>
      %dma_start3A_912 = arith.constant 0 : i32
      %dma_start3A_913 = arith.constant 0 : i32
      %dma_start3A_914 = tpu.memref_slice %arg4[%add3A_899, %dma_start3A_912, %dma_start3A_913] : memref<16384x20x128xf32, #tpu.memory_space<hbm>> -> memref<1x20x128xf32, #tpu.memory_space<hbm>>
      %dma_start3A_915 = tpu.memref_squeeze %dma_start3A_914 : memref<1x20x128xf32, #tpu.memory_space<hbm>> -> memref<20x128xf32, #tpu.memory_space<hbm>>
      %dma_start3A_916 = arith.constant 0 : i32
      %dma_start3A_917 = arith.constant 0 : i32
      %dma_start3A_918 = tpu.memref_slice %arg7[%dma_start3A_900, %dma_start3A_916, %dma_start3A_917] : memref<2x80x128xf32, #tpu.memory_space<vmem>> -> memref<1x80x128xf32, #tpu.memory_space<vmem>>
      %dma_start3A_919 = tpu.memref_squeeze %dma_start3A_918 : memref<1x80x128xf32, #tpu.memory_space<vmem>> -> memref<80x128xf32, #tpu.memory_space<vmem>>
      %dma_start3A_920 = arith.constant 20 : i32
      %dma_start3A_921 = arith.constant 0 : i32
      %dma_start3A_922 = tpu.memref_slice %dma_start3A_919[%dma_start3A_920, %dma_start3A_921] : memref<80x128xf32, #tpu.memory_space<vmem>> -> memref<20x128xf32, #tpu.memory_space<vmem>>
      tpu.enqueue_dma source(%dma_start3A_922 : memref<20x128xf32, #tpu.memory_space<vmem>>) target(%dma_start3A_915 : memref<20x128xf32, #tpu.memory_space<hbm>>) target_semaphore(%arg11 : memref<!tpu.dma_semaphore, #tpu.memory_space<semaphore_mem>>)
      %mul3A_923 = arith.constant 4 : i32
      %mul3A_924 = arith.muli %add3A_640, %mul3A_923 : i32
      %add3A_925 = arith.addi %mul3A_4, %mul3A_924 : i32
      %add3A_926 = arith.constant 2 : i32
      %add3A_927 = arith.addi %add3A_925, %add3A_926 : i32
      %dma_start3A_928 = arith.constant 0 : i32
      %dma_start3A_929 = arith.constant 0 : i32
      %dma_start3A_930 = arith.constant 0 : i32
      %dma_start3A_931 = tpu.memref_slice %arg7[%dma_start3A_928, %dma_start3A_929, %dma_start3A_930] : memref<2x80x128xf32, #tpu.memory_space<vmem>> -> memref<1x80x128xf32, #tpu.memory_space<vmem>>
      %dma_start3A_932 = tpu.memref_squeeze %dma_start3A_931 : memref<1x80x128xf32, #tpu.memory_space<vmem>> -> memref<80x128xf32, #tpu.memory_space<vmem>>
      %dma_start3A_933 = arith.constant 40 : i32
      %dma_start3A_934 = arith.constant 0 : i32
      %dma_start3A_935 = tpu.memref_slice %dma_start3A_932[%dma_start3A_933, %dma_start3A_934] : memref<80x128xf32, #tpu.memory_space<vmem>> -> memref<20x128xf32, #tpu.memory_space<vmem>>
      %dma_start3A_936 = arith.constant 0 : i32
      %dma_start3A_937 = arith.constant 0 : i32
      %dma_start3A_938 = tpu.memref_slice %arg4[%add3A_927, %dma_start3A_936, %dma_start3A_937] : memref<16384x20x128xf32, #tpu.memory_space<hbm>> -> memref<1x20x128xf32, #tpu.memory_space<hbm>>
      %dma_start3A_939 = tpu.memref_squeeze %dma_start3A_938 : memref<1x20x128xf32, #tpu.memory_space<hbm>> -> memref<20x128xf32, #tpu.memory_space<hbm>>
      %dma_start3A_940 = arith.constant 0 : i32
      %dma_start3A_941 = arith.constant 0 : i32
      %dma_start3A_942 = tpu.memref_slice %arg4[%add3A_927, %dma_start3A_940, %dma_start3A_941] : memref<16384x20x128xf32, #tpu.memory_space<hbm>> -> memref<1x20x128xf32, #tpu.memory_space<hbm>>
      %dma_start3A_943 = tpu.memref_squeeze %dma_start3A_942 : memref<1x20x128xf32, #tpu.memory_space<hbm>> -> memref<20x128xf32, #tpu.memory_space<hbm>>
      %dma_start3A_944 = arith.constant 0 : i32
      %dma_start3A_945 = arith.constant 0 : i32
      %dma_start3A_946 = tpu.memref_slice %arg7[%dma_start3A_928, %dma_start3A_944, %dma_start3A_945] : memref<2x80x128xf32, #tpu.memory_space<vmem>> -> memref<1x80x128xf32, #tpu.memory_space<vmem>>
      %dma_start3A_947 = tpu.memref_squeeze %dma_start3A_946 : memref<1x80x128xf32, #tpu.memory_space<vmem>> -> memref<80x128xf32, #tpu.memory_space<vmem>>
      %dma_start3A_948 = arith.constant 40 : i32
      %dma_start3A_949 = arith.constant 0 : i32
      %dma_start3A_950 = tpu.memref_slice %dma_start3A_947[%dma_start3A_948, %dma_start3A_949] : memref<80x128xf32, #tpu.memory_space<vmem>> -> memref<20x128xf32, #tpu.memory_space<vmem>>
      tpu.enqueue_dma source(%dma_start3A_950 : memref<20x128xf32, #tpu.memory_space<vmem>>) target(%dma_start3A_943 : memref<20x128xf32, #tpu.memory_space<hbm>>) target_semaphore(%arg11 : memref<!tpu.dma_semaphore, #tpu.memory_space<semaphore_mem>>)
      %mul3A_951 = arith.constant 4 : i32
      %mul3A_952 = arith.muli %add3A_640, %mul3A_951 : i32
      %add3A_953 = arith.addi %mul3A_4, %mul3A_952 : i32
      %add3A_954 = arith.constant 3 : i32
      %add3A_955 = arith.addi %add3A_953, %add3A_954 : i32
      %dma_start3A_956 = arith.constant 0 : i32
      %dma_start3A_957 = arith.constant 0 : i32
      %dma_start3A_958 = arith.constant 0 : i32
      %dma_start3A_959 = tpu.memref_slice %arg7[%dma_start3A_956, %dma_start3A_957, %dma_start3A_958] : memref<2x80x128xf32, #tpu.memory_space<vmem>> -> memref<1x80x128xf32, #tpu.memory_space<vmem>>
      %dma_start3A_960 = tpu.memref_squeeze %dma_start3A_959 : memref<1x80x128xf32, #tpu.memory_space<vmem>> -> memref<80x128xf32, #tpu.memory_space<vmem>>
      %dma_start3A_961 = arith.constant 60 : i32
      %dma_start3A_962 = arith.constant 0 : i32
      %dma_start3A_963 = tpu.memref_slice %dma_start3A_960[%dma_start3A_961, %dma_start3A_962] : memref<80x128xf32, #tpu.memory_space<vmem>> -> memref<20x128xf32, #tpu.memory_space<vmem>>
      %dma_start3A_964 = arith.constant 0 : i32
      %dma_start3A_965 = arith.constant 0 : i32
      %dma_start3A_966 = tpu.memref_slice %arg4[%add3A_955, %dma_start3A_964, %dma_start3A_965] : memref<16384x20x128xf32, #tpu.memory_space<hbm>> -> memref<1x20x128xf32, #tpu.memory_space<hbm>>
      %dma_start3A_967 = tpu.memref_squeeze %dma_start3A_966 : memref<1x20x128xf32, #tpu.memory_space<hbm>> -> memref<20x128xf32, #tpu.memory_space<hbm>>
      %dma_start3A_968 = arith.constant 0 : i32
      %dma_start3A_969 = arith.constant 0 : i32
      %dma_start3A_970 = tpu.memref_slice %arg4[%add3A_955, %dma_start3A_968, %dma_start3A_969] : memref<16384x20x128xf32, #tpu.memory_space<hbm>> -> memref<1x20x128xf32, #tpu.memory_space<hbm>>
      %dma_start3A_971 = tpu.memref_squeeze %dma_start3A_970 : memref<1x20x128xf32, #tpu.memory_space<hbm>> -> memref<20x128xf32, #tpu.memory_space<hbm>>
      %dma_start3A_972 = arith.constant 0 : i32
      %dma_start3A_973 = arith.constant 0 : i32
      %dma_start3A_974 = tpu.memref_slice %arg7[%dma_start3A_956, %dma_start3A_972, %dma_start3A_973] : memref<2x80x128xf32, #tpu.memory_space<vmem>> -> memref<1x80x128xf32, #tpu.memory_space<vmem>>
      %dma_start3A_975 = tpu.memref_squeeze %dma_start3A_974 : memref<1x80x128xf32, #tpu.memory_space<vmem>> -> memref<80x128xf32, #tpu.memory_space<vmem>>
      %dma_start3A_976 = arith.constant 60 : i32
      %dma_start3A_977 = arith.constant 0 : i32
      %dma_start3A_978 = tpu.memref_slice %dma_start3A_975[%dma_start3A_976, %dma_start3A_977] : memref<80x128xf32, #tpu.memory_space<vmem>> -> memref<20x128xf32, #tpu.memory_space<vmem>>
      tpu.enqueue_dma source(%dma_start3A_978 : memref<20x128xf32, #tpu.memory_space<vmem>>) target(%dma_start3A_971 : memref<20x128xf32, #tpu.memory_space<hbm>>) target_semaphore(%arg11 : memref<!tpu.dma_semaphore, #tpu.memory_space<semaphore_mem>>)
      %mul3A_979 = arith.constant 2 : i32
      %mul3A_980 = arith.muli %mul3A_979, %scan3A_636 : i32
      %add3A_981 = arith.constant 1 : i32
      %add3A_982 = arith.addi %mul3A_980, %add3A_981 : i32
      %mul3A_983 = arith.constant 80 : i32
      %mul3A_984 = arith.muli %add3A_982, %mul3A_983 : i32
      %add3A_985 = arith.constant 0 : i32
      %add3A_986 = arith.addi %mul3A_984, %add3A_985 : i32
      %get3A_987 = arith.index_cast %add3A_986 : i32 to index
      %get3A_988 = tpu.vector_load %arg5[%get3A_987] {strides = array<i32>} : memref<10240xi32, #tpu.memory_space<vmem>>, vector<16xi32>,
      %get3A_989 = vector.shape_cast %get3A_988 : vector<16xi32> to vector<16xi32>
      %swap3A_990 = arith.constant 1 : i32
      %swap3A_991 = arith.constant 0 : i32
      %swap3A_992 = arith.constant 0 : i32
      %swap3A_993 = arith.constant 0 : i32
      %swap3A_994 = tpu.memref_slice %arg6[%swap3A_990, %swap3A_992, %swap3A_993] : memref<2x1x80xi32, #tpu.memory_space<vmem>> -> memref<1x1x80xi32, #tpu.memory_space<vmem>>
      %swap3A_995 = tpu.memref_squeeze %swap3A_994 : memref<1x1x80xi32, #tpu.memory_space<vmem>> -> memref<1x80xi32, #tpu.memory_space<vmem>>
      %swap3A_996 = arith.constant 0 : i32
      %swap3A_997 = tpu.memref_slice %swap3A_995[%swap3A_991, %swap3A_996] : memref<1x80xi32, #tpu.memory_space<vmem>> -> memref<1x80xi32, #tpu.memory_space<vmem>>
      %swap3A_998 = tpu.memref_squeeze %swap3A_997 : memref<1x80xi32, #tpu.memory_space<vmem>> -> memref<80xi32, #tpu.memory_space<vmem>>
      %swap3A_999 = arith.constant 0 : index
      %swap3A_1000 = tpu.vector_load %swap3A_998[%swap3A_999] {strides = array<i32>} : memref<80xi32, #tpu.memory_space<vmem>>, vector<16xi32>,
      %swap3A_1001 = vector.shape_cast %swap3A_1000 : vector<16xi32> to vector<16xi32>
      %swap3A_1002 = vector.shape_cast %get3A_989 : vector<16xi32> to vector<16xi32>
      tpu.vector_store %swap3A_998[%swap3A_999], %swap3A_1002 {strides = array<i32>} : memref<80xi32, #tpu.memory_space<vmem>>, vector<16xi32>,
      %mul3A_1003 = arith.constant 80 : i32
      %mul3A_1004 = arith.muli %add3A_982, %mul3A_1003 : i32
      %add3A_1005 = arith.constant 16 : i32
      %add3A_1006 = arith.addi %mul3A_1004, %add3A_1005 : i32
      %get3A_1007 = arith.index_cast %add3A_1006 : i32 to index
      %get3A_1008 = tpu.vector_load %arg5[%get3A_1007] {strides = array<i32>} : memref<10240xi32, #tpu.memory_space<vmem>>, vector<16xi32>,
      %get3A_1009 = vector.shape_cast %get3A_1008 : vector<16xi32> to vector<16xi32>
      %swap3A_1010 = arith.constant 1 : i32
      %swap3A_1011 = arith.constant 0 : i32
      %swap3A_1012 = arith.constant 0 : i32
      %swap3A_1013 = arith.constant 0 : i32
      %swap3A_1014 = tpu.memref_slice %arg6[%swap3A_1010, %swap3A_1012, %swap3A_1013] : memref<2x1x80xi32, #tpu.memory_space<vmem>> -> memref<1x1x80xi32, #tpu.memory_space<vmem>>
      %swap3A_1015 = tpu.memref_squeeze %swap3A_1014 : memref<1x1x80xi32, #tpu.memory_space<vmem>> -> memref<1x80xi32, #tpu.memory_space<vmem>>
      %swap3A_1016 = arith.constant 0 : i32
      %swap3A_1017 = tpu.memref_slice %swap3A_1015[%swap3A_1011, %swap3A_1016] : memref<1x80xi32, #tpu.memory_space<vmem>> -> memref<1x80xi32, #tpu.memory_space<vmem>>
      %swap3A_1018 = tpu.memref_squeeze %swap3A_1017 : memref<1x80xi32, #tpu.memory_space<vmem>> -> memref<80xi32, #tpu.memory_space<vmem>>
      %swap3A_1019 = arith.constant 16 : index
      %swap3A_1020 = tpu.vector_load %swap3A_1018[%swap3A_1019] {strides = array<i32>} : memref<80xi32, #tpu.memory_space<vmem>>, vector<16xi32>,
      %swap3A_1021 = vector.shape_cast %swap3A_1020 : vector<16xi32> to vector<16xi32>
      %swap3A_1022 = vector.shape_cast %get3A_1009 : vector<16xi32> to vector<16xi32>
      tpu.vector_store %swap3A_1018[%swap3A_1019], %swap3A_1022 {strides = array<i32>} : memref<80xi32, #tpu.memory_space<vmem>>, vector<16xi32>,
      %mul3A_1023 = arith.constant 80 : i32
      %mul3A_1024 = arith.muli %add3A_982, %mul3A_1023 : i32
      %add3A_1025 = arith.constant 32 : i32
      %add3A_1026 = arith.addi %mul3A_1024, %add3A_1025 : i32
      %get3A_1027 = arith.index_cast %add3A_1026 : i32 to index
      %get3A_1028 = tpu.vector_load %arg5[%get3A_1027] {strides = array<i32>} : memref<10240xi32, #tpu.memory_space<vmem>>, vector<16xi32>,
      %get3A_1029 = vector.shape_cast %get3A_1028 : vector<16xi32> to vector<16xi32>
      %swap3A_1030 = arith.constant 1 : i32
      %swap3A_1031 = arith.constant 0 : i32
      %swap3A_1032 = arith.constant 0 : i32
      %swap3A_1033 = arith.constant 0 : i32
      %swap3A_1034 = tpu.memref_slice %arg6[%swap3A_1030, %swap3A_1032, %swap3A_1033] : memref<2x1x80xi32, #tpu.memory_space<vmem>> -> memref<1x1x80xi32, #tpu.memory_space<vmem>>
      %swap3A_1035 = tpu.memref_squeeze %swap3A_1034 : memref<1x1x80xi32, #tpu.memory_space<vmem>> -> memref<1x80xi32, #tpu.memory_space<vmem>>
      %swap3A_1036 = arith.constant 0 : i32
      %swap3A_1037 = tpu.memref_slice %swap3A_1035[%swap3A_1031, %swap3A_1036] : memref<1x80xi32, #tpu.memory_space<vmem>> -> memref<1x80xi32, #tpu.memory_space<vmem>>
      %swap3A_1038 = tpu.memref_squeeze %swap3A_1037 : memref<1x80xi32, #tpu.memory_space<vmem>> -> memref<80xi32, #tpu.memory_space<vmem>>
      %swap3A_1039 = arith.constant 32 : index
      %swap3A_1040 = tpu.vector_load %swap3A_1038[%swap3A_1039] {strides = array<i32>} : memref<80xi32, #tpu.memory_space<vmem>>, vector<16xi32>,
      %swap3A_1041 = vector.shape_cast %swap3A_1040 : vector<16xi32> to vector<16xi32>
      %swap3A_1042 = vector.shape_cast %get3A_1029 : vector<16xi32> to vector<16xi32>
      tpu.vector_store %swap3A_1038[%swap3A_1039], %swap3A_1042 {strides = array<i32>} : memref<80xi32, #tpu.memory_space<vmem>>, vector<16xi32>,
      %mul3A_1043 = arith.constant 80 : i32
      %mul3A_1044 = arith.muli %add3A_982, %mul3A_1043 : i32
      %add3A_1045 = arith.constant 48 : i32
      %add3A_1046 = arith.addi %mul3A_1044, %add3A_1045 : i32
      %get3A_1047 = arith.index_cast %add3A_1046 : i32 to index
      %get3A_1048 = tpu.vector_load %arg5[%get3A_1047] {strides = array<i32>} : memref<10240xi32, #tpu.memory_space<vmem>>, vector<16xi32>,
      %get3A_1049 = vector.shape_cast %get3A_1048 : vector<16xi32> to vector<16xi32>
      %swap3A_1050 = arith.constant 1 : i32
      %swap3A_1051 = arith.constant 0 : i32
      %swap3A_1052 = arith.constant 0 : i32
      %swap3A_1053 = arith.constant 0 : i32
      %swap3A_1054 = tpu.memref_slice %arg6[%swap3A_1050, %swap3A_1052, %swap3A_1053] : memref<2x1x80xi32, #tpu.memory_space<vmem>> -> memref<1x1x80xi32, #tpu.memory_space<vmem>>
      %swap3A_1055 = tpu.memref_squeeze %swap3A_1054 : memref<1x1x80xi32, #tpu.memory_space<vmem>> -> memref<1x80xi32, #tpu.memory_space<vmem>>
      %swap3A_1056 = arith.constant 0 : i32
      %swap3A_1057 = tpu.memref_slice %swap3A_1055[%swap3A_1051, %swap3A_1056] : memref<1x80xi32, #tpu.memory_space<vmem>> -> memref<1x80xi32, #tpu.memory_space<vmem>>
      %swap3A_1058 = tpu.memref_squeeze %swap3A_1057 : memref<1x80xi32, #tpu.memory_space<vmem>> -> memref<80xi32, #tpu.memory_space<vmem>>
      %swap3A_1059 = arith.constant 48 : index
      %swap3A_1060 = tpu.vector_load %swap3A_1058[%swap3A_1059] {strides = array<i32>} : memref<80xi32, #tpu.memory_space<vmem>>, vector<16xi32>,
      %swap3A_1061 = vector.shape_cast %swap3A_1060 : vector<16xi32> to vector<16xi32>
      %swap3A_1062 = vector.shape_cast %get3A_1049 : vector<16xi32> to vector<16xi32>
      tpu.vector_store %swap3A_1058[%swap3A_1059], %swap3A_1062 {strides = array<i32>} : memref<80xi32, #tpu.memory_space<vmem>>, vector<16xi32>,
      %mul3A_1063 = arith.constant 80 : i32
      %mul3A_1064 = arith.muli %add3A_982, %mul3A_1063 : i32
      %add3A_1065 = arith.constant 64 : i32
      %add3A_1066 = arith.addi %mul3A_1064, %add3A_1065 : i32
      %get3A_1067 = arith.index_cast %add3A_1066 : i32 to index
      %get3A_1068 = tpu.vector_load %arg5[%get3A_1067] {strides = array<i32>} : memref<10240xi32, #tpu.memory_space<vmem>>, vector<16xi32>,
      %get3A_1069 = vector.shape_cast %get3A_1068 : vector<16xi32> to vector<16xi32>
      %swap3A_1070 = arith.constant 1 : i32
      %swap3A_1071 = arith.constant 0 : i32
      %swap3A_1072 = arith.constant 0 : i32
      %swap3A_1073 = arith.constant 0 : i32
      %swap3A_1074 = tpu.memref_slice %arg6[%swap3A_1070, %swap3A_1072, %swap3A_1073] : memref<2x1x80xi32, #tpu.memory_space<vmem>> -> memref<1x1x80xi32, #tpu.memory_space<vmem>>
      %swap3A_1075 = tpu.memref_squeeze %swap3A_1074 : memref<1x1x80xi32, #tpu.memory_space<vmem>> -> memref<1x80xi32, #tpu.memory_space<vmem>>
      %swap3A_1076 = arith.constant 0 : i32
      %swap3A_1077 = tpu.memref_slice %swap3A_1075[%swap3A_1071, %swap3A_1076] : memref<1x80xi32, #tpu.memory_space<vmem>> -> memref<1x80xi32, #tpu.memory_space<vmem>>
      %swap3A_1078 = tpu.memref_squeeze %swap3A_1077 : memref<1x80xi32, #tpu.memory_space<vmem>> -> memref<80xi32, #tpu.memory_space<vmem>>
      %swap3A_1079 = arith.constant 64 : index
      %swap3A_1080 = tpu.vector_load %swap3A_1078[%swap3A_1079] {strides = array<i32>} : memref<80xi32, #tpu.memory_space<vmem>>, vector<16xi32>,
      %swap3A_1081 = vector.shape_cast %swap3A_1080 : vector<16xi32> to vector<16xi32>
      %swap3A_1082 = vector.shape_cast %get3A_1069 : vector<16xi32> to vector<16xi32>
      tpu.vector_store %swap3A_1078[%swap3A_1079], %swap3A_1082 {strides = array<i32>} : memref<80xi32, #tpu.memory_space<vmem>>, vector<16xi32>,
      %dma_wait3A_1083 = arith.constant 1 : i32
      %dma_wait3A_1084 = arith.constant 0 : i32
      %dma_wait3A_1085 = arith.constant 0 : i32
      %dma_wait3A_1086 = tpu.memref_slice %arg7[%dma_wait3A_1083, %dma_wait3A_1084, %dma_wait3A_1085] : memref<2x80x128xf32, #tpu.memory_space<vmem>> -> memref<1x80x128xf32, #tpu.memory_space<vmem>>
      %dma_wait3A_1087 = tpu.memref_squeeze %dma_wait3A_1086 : memref<1x80x128xf32, #tpu.memory_space<vmem>> -> memref<80x128xf32, #tpu.memory_space<vmem>>
      %dma_wait3A_1088 = arith.constant 0 : i32
      %dma_wait3A_1089 = arith.constant 0 : i32
      %dma_wait3A_1090 = tpu.memref_slice %dma_wait3A_1087[%dma_wait3A_1088, %dma_wait3A_1089] : memref<80x128xf32, #tpu.memory_space<vmem>> -> memref<20x128xf32, #tpu.memory_space<vmem>>
      %dma_wait3A_1091 = arith.constant 0 : i32
      %dma_wait3A_1092 = arith.constant 0 : i32
      %dma_wait3A_1093 = tpu.memref_slice %arg4[%mul3A_4, %dma_wait3A_1091, %dma_wait3A_1092] : memref<16384x20x128xf32, #tpu.memory_space<hbm>> -> memref<1x20x128xf32, #tpu.memory_space<hbm>>
      %dma_wait3A_1094 = tpu.memref_squeeze %dma_wait3A_1093 : memref<1x20x128xf32, #tpu.memory_space<hbm>> -> memref<20x128xf32, #tpu.memory_space<hbm>>
      %dma_wait3A_1095 = arith.constant 0 : i32
      %dma_wait3A_1096 = arith.constant 0 : i32
      %dma_wait3A_1097 = tpu.memref_slice %arg4[%mul3A_4, %dma_wait3A_1095, %dma_wait3A_1096] : memref<16384x20x128xf32, #tpu.memory_space<hbm>> -> memref<1x20x128xf32, #tpu.memory_space<hbm>>
      %dma_wait3A_1098 = tpu.memref_squeeze %dma_wait3A_1097 : memref<1x20x128xf32, #tpu.memory_space<hbm>> -> memref<20x128xf32, #tpu.memory_space<hbm>>
      %dma_wait3A_1099 = arith.constant 0 : i32
      %dma_wait3A_1100 = arith.constant 0 : i32
      %dma_wait3A_1101 = tpu.memref_slice %arg7[%dma_wait3A_1083, %dma_wait3A_1099, %dma_wait3A_1100] : memref<2x80x128xf32, #tpu.memory_space<vmem>> -> memref<1x80x128xf32, #tpu.memory_space<vmem>>
      %dma_wait3A_1102 = tpu.memref_squeeze %dma_wait3A_1101 : memref<1x80x128xf32, #tpu.memory_space<vmem>> -> memref<80x128xf32, #tpu.memory_space<vmem>>
      %dma_wait3A_1103 = arith.constant 0 : i32
      %dma_wait3A_1104 = arith.constant 0 : i32
      %dma_wait3A_1105 = tpu.memref_slice %dma_wait3A_1102[%dma_wait3A_1103, %dma_wait3A_1104] : memref<80x128xf32, #tpu.memory_space<vmem>> -> memref<20x128xf32, #tpu.memory_space<vmem>>
      tpu.wait_dma2 semaphore(%arg12 : memref<!tpu.dma_semaphore, #tpu.memory_space<semaphore_mem>>) src(%dma_wait3A_1105 : memref<20x128xf32, #tpu.memory_space<vmem>>) dst(%dma_wait3A_1098 : memref<20x128xf32, #tpu.memory_space<hbm>>)
      %dma_wait3A_1106 = arith.constant 1 : i32
      %dma_wait3A_1107 = arith.constant 0 : i32
      %dma_wait3A_1108 = arith.constant 0 : i32
      %dma_wait3A_1109 = tpu.memref_slice %arg7[%dma_wait3A_1106, %dma_wait3A_1107, %dma_wait3A_1108] : memref<2x80x128xf32, #tpu.memory_space<vmem>> -> memref<1x80x128xf32, #tpu.memory_space<vmem>>
      %dma_wait3A_1110 = tpu.memref_squeeze %dma_wait3A_1109 : memref<1x80x128xf32, #tpu.memory_space<vmem>> -> memref<80x128xf32, #tpu.memory_space<vmem>>
      %dma_wait3A_1111 = arith.constant 20 : i32
      %dma_wait3A_1112 = arith.constant 0 : i32
      %dma_wait3A_1113 = tpu.memref_slice %dma_wait3A_1110[%dma_wait3A_1111, %dma_wait3A_1112] : memref<80x128xf32, #tpu.memory_space<vmem>> -> memref<20x128xf32, #tpu.memory_space<vmem>>
      %dma_wait3A_1114 = arith.constant 0 : i32
      %dma_wait3A_1115 = arith.constant 0 : i32
      %dma_wait3A_1116 = tpu.memref_slice %arg4[%mul3A_4, %dma_wait3A_1114, %dma_wait3A_1115] : memref<16384x20x128xf32, #tpu.memory_space<hbm>> -> memref<1x20x128xf32, #tpu.memory_space<hbm>>
      %dma_wait3A_1117 = tpu.memref_squeeze %dma_wait3A_1116 : memref<1x20x128xf32, #tpu.memory_space<hbm>> -> memref<20x128xf32, #tpu.memory_space<hbm>>
      %dma_wait3A_1118 = arith.constant 0 : i32
      %dma_wait3A_1119 = arith.constant 0 : i32
      %dma_wait3A_1120 = tpu.memref_slice %arg4[%mul3A_4, %dma_wait3A_1118, %dma_wait3A_1119] : memref<16384x20x128xf32, #tpu.memory_space<hbm>> -> memref<1x20x128xf32, #tpu.memory_space<hbm>>
      %dma_wait3A_1121 = tpu.memref_squeeze %dma_wait3A_1120 : memref<1x20x128xf32, #tpu.memory_space<hbm>> -> memref<20x128xf32, #tpu.memory_space<hbm>>
      %dma_wait3A_1122 = arith.constant 0 : i32
      %dma_wait3A_1123 = arith.constant 0 : i32
      %dma_wait3A_1124 = tpu.memref_slice %arg7[%dma_wait3A_1106, %dma_wait3A_1122, %dma_wait3A_1123] : memref<2x80x128xf32, #tpu.memory_space<vmem>> -> memref<1x80x128xf32, #tpu.memory_space<vmem>>
      %dma_wait3A_1125 = tpu.memref_squeeze %dma_wait3A_1124 : memref<1x80x128xf32, #tpu.memory_space<vmem>> -> memref<80x128xf32, #tpu.memory_space<vmem>>
      %dma_wait3A_1126 = arith.constant 20 : i32
      %dma_wait3A_1127 = arith.constant 0 : i32
      %dma_wait3A_1128 = tpu.memref_slice %dma_wait3A_1125[%dma_wait3A_1126, %dma_wait3A_1127] : memref<80x128xf32, #tpu.memory_space<vmem>> -> memref<20x128xf32, #tpu.memory_space<vmem>>
      tpu.wait_dma2 semaphore(%arg12 : memref<!tpu.dma_semaphore, #tpu.memory_space<semaphore_mem>>) src(%dma_wait3A_1128 : memref<20x128xf32, #tpu.memory_space<vmem>>) dst(%dma_wait3A_1121 : memref<20x128xf32, #tpu.memory_space<hbm>>)
      %dma_wait3A_1129 = arith.constant 1 : i32
      %dma_wait3A_1130 = arith.constant 0 : i32
      %dma_wait3A_1131 = arith.constant 0 : i32
      %dma_wait3A_1132 = tpu.memref_slice %arg7[%dma_wait3A_1129, %dma_wait3A_1130, %dma_wait3A_1131] : memref<2x80x128xf32, #tpu.memory_space<vmem>> -> memref<1x80x128xf32, #tpu.memory_space<vmem>>
      %dma_wait3A_1133 = tpu.memref_squeeze %dma_wait3A_1132 : memref<1x80x128xf32, #tpu.memory_space<vmem>> -> memref<80x128xf32, #tpu.memory_space<vmem>>
      %dma_wait3A_1134 = arith.constant 40 : i32
      %dma_wait3A_1135 = arith.constant 0 : i32
      %dma_wait3A_1136 = tpu.memref_slice %dma_wait3A_1133[%dma_wait3A_1134, %dma_wait3A_1135] : memref<80x128xf32, #tpu.memory_space<vmem>> -> memref<20x128xf32, #tpu.memory_space<vmem>>
      %dma_wait3A_1137 = arith.constant 0 : i32
      %dma_wait3A_1138 = arith.constant 0 : i32
      %dma_wait3A_1139 = tpu.memref_slice %arg4[%mul3A_4, %dma_wait3A_1137, %dma_wait3A_1138] : memref<16384x20x128xf32, #tpu.memory_space<hbm>> -> memref<1x20x128xf32, #tpu.memory_space<hbm>>
      %dma_wait3A_1140 = tpu.memref_squeeze %dma_wait3A_1139 : memref<1x20x128xf32, #tpu.memory_space<hbm>> -> memref<20x128xf32, #tpu.memory_space<hbm>>
      %dma_wait3A_1141 = arith.constant 0 : i32
      %dma_wait3A_1142 = arith.constant 0 : i32
      %dma_wait3A_1143 = tpu.memref_slice %arg4[%mul3A_4, %dma_wait3A_1141, %dma_wait3A_1142] : memref<16384x20x128xf32, #tpu.memory_space<hbm>> -> memref<1x20x128xf32, #tpu.memory_space<hbm>>
      %dma_wait3A_1144 = tpu.memref_squeeze %dma_wait3A_1143 : memref<1x20x128xf32, #tpu.memory_space<hbm>> -> memref<20x128xf32, #tpu.memory_space<hbm>>
      %dma_wait3A_1145 = arith.constant 0 : i32
      %dma_wait3A_1146 = arith.constant 0 : i32
      %dma_wait3A_1147 = tpu.memref_slice %arg7[%dma_wait3A_1129, %dma_wait3A_1145, %dma_wait3A_1146] : memref<2x80x128xf32, #tpu.memory_space<vmem>> -> memref<1x80x128xf32, #tpu.memory_space<vmem>>
      %dma_wait3A_1148 = tpu.memref_squeeze %dma_wait3A_1147 : memref<1x80x128xf32, #tpu.memory_space<vmem>> -> memref<80x128xf32, #tpu.memory_space<vmem>>
      %dma_wait3A_1149 = arith.constant 40 : i32
      %dma_wait3A_1150 = arith.constant 0 : i32
      %dma_wait3A_1151 = tpu.memref_slice %dma_wait3A_1148[%dma_wait3A_1149, %dma_wait3A_1150] : memref<80x128xf32, #tpu.memory_space<vmem>> -> memref<20x128xf32, #tpu.memory_space<vmem>>
      tpu.wait_dma2 semaphore(%arg12 : memref<!tpu.dma_semaphore, #tpu.memory_space<semaphore_mem>>) src(%dma_wait3A_1151 : memref<20x128xf32, #tpu.memory_space<vmem>>) dst(%dma_wait3A_1144 : memref<20x128xf32, #tpu.memory_space<hbm>>)
      %dma_wait3A_1152 = arith.constant 1 : i32
      %dma_wait3A_1153 = arith.constant 0 : i32
      %dma_wait3A_1154 = arith.constant 0 : i32
      %dma_wait3A_1155 = tpu.memref_slice %arg7[%dma_wait3A_1152, %dma_wait3A_1153, %dma_wait3A_1154] : memref<2x80x128xf32, #tpu.memory_space<vmem>> -> memref<1x80x128xf32, #tpu.memory_space<vmem>>
      %dma_wait3A_1156 = tpu.memref_squeeze %dma_wait3A_1155 : memref<1x80x128xf32, #tpu.memory_space<vmem>> -> memref<80x128xf32, #tpu.memory_space<vmem>>
      %dma_wait3A_1157 = arith.constant 60 : i32
      %dma_wait3A_1158 = arith.constant 0 : i32
      %dma_wait3A_1159 = tpu.memref_slice %dma_wait3A_1156[%dma_wait3A_1157, %dma_wait3A_1158] : memref<80x128xf32, #tpu.memory_space<vmem>> -> memref<20x128xf32, #tpu.memory_space<vmem>>
      %dma_wait3A_1160 = arith.constant 0 : i32
      %dma_wait3A_1161 = arith.constant 0 : i32
      %dma_wait3A_1162 = tpu.memref_slice %arg4[%mul3A_4, %dma_wait3A_1160, %dma_wait3A_1161] : memref<16384x20x128xf32, #tpu.memory_space<hbm>> -> memref<1x20x128xf32, #tpu.memory_space<hbm>>
      %dma_wait3A_1163 = tpu.memref_squeeze %dma_wait3A_1162 : memref<1x20x128xf32, #tpu.memory_space<hbm>> -> memref<20x128xf32, #tpu.memory_space<hbm>>
      %dma_wait3A_1164 = arith.constant 0 : i32
      %dma_wait3A_1165 = arith.constant 0 : i32
      %dma_wait3A_1166 = tpu.memref_slice %arg4[%mul3A_4, %dma_wait3A_1164, %dma_wait3A_1165] : memref<16384x20x128xf32, #tpu.memory_space<hbm>> -> memref<1x20x128xf32, #tpu.memory_space<hbm>>
      %dma_wait3A_1167 = tpu.memref_squeeze %dma_wait3A_1166 : memref<1x20x128xf32, #tpu.memory_space<hbm>> -> memref<20x128xf32, #tpu.memory_space<hbm>>
      %dma_wait3A_1168 = arith.constant 0 : i32
      %dma_wait3A_1169 = arith.constant 0 : i32
      %dma_wait3A_1170 = tpu.memref_slice %arg7[%dma_wait3A_1152, %dma_wait3A_1168, %dma_wait3A_1169] : memref<2x80x128xf32, #tpu.memory_space<vmem>> -> memref<1x80x128xf32, #tpu.memory_space<vmem>>
      %dma_wait3A_1171 = tpu.memref_squeeze %dma_wait3A_1170 : memref<1x80x128xf32, #tpu.memory_space<vmem>> -> memref<80x128xf32, #tpu.memory_space<vmem>>
      %dma_wait3A_1172 = arith.constant 60 : i32
      %dma_wait3A_1173 = arith.constant 0 : i32
      %dma_wait3A_1174 = tpu.memref_slice %dma_wait3A_1171[%dma_wait3A_1172, %dma_wait3A_1173] : memref<80x128xf32, #tpu.memory_space<vmem>> -> memref<20x128xf32, #tpu.memory_space<vmem>>
      tpu.wait_dma2 semaphore(%arg12 : memref<!tpu.dma_semaphore, #tpu.memory_space<semaphore_mem>>) src(%dma_wait3A_1174 : memref<20x128xf32, #tpu.memory_space<vmem>>) dst(%dma_wait3A_1167 : memref<20x128xf32, #tpu.memory_space<hbm>>)
      %dma_start3A_1175 = arith.constant 1 : i32
      %dma_start3A_1176 = arith.constant 0 : i32
      %dma_start3A_1177 = arith.constant 1 : i32
      %dma_start3A_1178 = arith.constant 0 : i32
      %dma_start3A_1179 = arith.constant 0 : i32
      %dma_start3A_1180 = tpu.memref_slice %arg7[%dma_start3A_1177, %dma_start3A_1178, %dma_start3A_1179] : memref<2x80x128xf32, #tpu.memory_space<vmem>> -> memref<1x80x128xf32, #tpu.memory_space<vmem>>
      %dma_start3A_1181 = tpu.memref_squeeze %dma_start3A_1180 : memref<1x80x128xf32, #tpu.memory_space<vmem>> -> memref<80x128xf32, #tpu.memory_space<vmem>>
      %dma_start3A_1182 = arith.constant 0 : i32
      %dma_start3A_1183 = arith.constant 0 : i32
      %dma_start3A_1184 = tpu.memref_slice %arg6[%dma_start3A_1175, %dma_start3A_1182, %dma_start3A_1183] : memref<2x1x80xi32, #tpu.memory_space<vmem>> -> memref<1x1x80xi32, #tpu.memory_space<vmem>>
      %dma_start3A_1185 = tpu.memref_squeeze %dma_start3A_1184 : memref<1x1x80xi32, #tpu.memory_space<vmem>> -> memref<1x80xi32, #tpu.memory_space<vmem>>
      %dma_start3A_1186 = arith.constant 0 : i32
      %dma_start3A_1187 = tpu.memref_slice %dma_start3A_1185[%dma_start3A_1176, %dma_start3A_1186] : memref<1x80xi32, #tpu.memory_space<vmem>> -> memref<1x80xi32, #tpu.memory_space<vmem>>
      %dma_start3A_1188 = tpu.memref_squeeze %dma_start3A_1187 : memref<1x80xi32, #tpu.memory_space<vmem>> -> memref<80xi32, #tpu.memory_space<vmem>>
      %dma_start3A_1189 = arith.constant 0 : i32
      %dma_start3A_1190 = arith.constant 0 : i32
      %dma_start3A_1191 = tpu.memref_slice %arg8[%dma_start3A_1189, %dma_start3A_1190] : memref<192x128xf32, #tpu.memory_space<vmem_shared>> -> memref<192x128xf32, #tpu.memory_space<vmem_shared>>
      tpu.enqueue_indirect_dma source(%dma_start3A_1191 : memref<192x128xf32, #tpu.memory_space<vmem_shared>>) target(%dma_start3A_1181 : memref<80x128xf32, #tpu.memory_space<vmem>>) offsets(%dma_start3A_1188 : memref<80xi32, #tpu.memory_space<vmem>>) semaphore(%arg10 : memref<!tpu.dma_semaphore, #tpu.memory_space<semaphore_mem>>)
      %dma_wait3A_1192 = arith.constant 1 : i32
      %dma_wait3A_1193 = arith.constant 0 : i32
      %dma_wait3A_1194 = arith.constant 1 : i32
      %dma_wait3A_1195 = arith.constant 0 : i32
      %dma_wait3A_1196 = arith.constant 0 : i32
      %dma_wait3A_1197 = tpu.memref_slice %arg7[%dma_wait3A_1194, %dma_wait3A_1195, %dma_wait3A_1196] : memref<2x80x128xf32, #tpu.memory_space<vmem>> -> memref<1x80x128xf32, #tpu.memory_space<vmem>>
      %dma_wait3A_1198 = tpu.memref_squeeze %dma_wait3A_1197 : memref<1x80x128xf32, #tpu.memory_space<vmem>> -> memref<80x128xf32, #tpu.memory_space<vmem>>
      %dma_wait3A_1199 = arith.constant 0 : i32
      %dma_wait3A_1200 = arith.constant 0 : i32
      %dma_wait3A_1201 = tpu.memref_slice %arg6[%dma_wait3A_1192, %dma_wait3A_1199, %dma_wait3A_1200] : memref<2x1x80xi32, #tpu.memory_space<vmem>> -> memref<1x1x80xi32, #tpu.memory_space<vmem>>
      %dma_wait3A_1202 = tpu.memref_squeeze %dma_wait3A_1201 : memref<1x1x80xi32, #tpu.memory_space<vmem>> -> memref<1x80xi32, #tpu.memory_space<vmem>>
      %dma_wait3A_1203 = arith.constant 0 : i32
      %dma_wait3A_1204 = tpu.memref_slice %dma_wait3A_1202[%dma_wait3A_1193, %dma_wait3A_1203] : memref<1x80xi32, #tpu.memory_space<vmem>> -> memref<1x80xi32, #tpu.memory_space<vmem>>
      %dma_wait3A_1205 = tpu.memref_squeeze %dma_wait3A_1204 : memref<1x80xi32, #tpu.memory_space<vmem>> -> memref<80xi32, #tpu.memory_space<vmem>>
      %dma_wait3A_1206 = arith.constant 0 : i32
      %dma_wait3A_1207 = arith.constant 0 : i32
      %dma_wait3A_1208 = tpu.memref_slice %arg8[%dma_wait3A_1206, %dma_wait3A_1207] : memref<192x128xf32, #tpu.memory_space<vmem_shared>> -> memref<192x128xf32, #tpu.memory_space<vmem_shared>>
      tpu.wait_indirect_dma semaphore(%arg10 : memref<!tpu.dma_semaphore, #tpu.memory_space<semaphore_mem>>) src(%dma_wait3A_1208 : memref<192x128xf32, #tpu.memory_space<vmem_shared>>) dst(%dma_wait3A_1198 : memref<80x128xf32, #tpu.memory_space<vmem>>)
      %mul3A_1209 = arith.constant 4 : i32
      %mul3A_1210 = arith.muli %add3A_982, %mul3A_1209 : i32
      %add3A_1211 = arith.addi %mul3A_4, %mul3A_1210 : i32
      %add3A_1212 = arith.constant 0 : i32
      %add3A_1213 = arith.addi %add3A_1211, %add3A_1212 : i32
      %dma_start3A_1214 = arith.constant 1 : i32
      %dma_start3A_1215 = arith.constant 0 : i32
      %dma_start3A_1216 = arith.constant 0 : i32
      %dma_start3A_1217 = tpu.memref_slice %arg7[%dma_start3A_1214, %dma_start3A_1215, %dma_start3A_1216] : memref<2x80x128xf32, #tpu.memory_space<vmem>> -> memref<1x80x128xf32, #tpu.memory_space<vmem>>
      %dma_start3A_1218 = tpu.memref_squeeze %dma_start3A_1217 : memref<1x80x128xf32, #tpu.memory_space<vmem>> -> memref<80x128xf32, #tpu.memory_space<vmem>>
      %dma_start3A_1219 = arith.constant 0 : i32
      %dma_start3A_1220 = arith.constant 0 : i32
      %dma_start3A_1221 = tpu.memref_slice %dma_start3A_1218[%dma_start3A_1219, %dma_start3A_1220] : memref<80x128xf32, #tpu.memory_space<vmem>> -> memref<20x128xf32, #tpu.memory_space<vmem>>
      %dma_start3A_1222 = arith.constant 0 : i32
      %dma_start3A_1223 = arith.constant 0 : i32
      %dma_start3A_1224 = tpu.memref_slice %arg4[%add3A_1213, %dma_start3A_1222, %dma_start3A_1223] : memref<16384x20x128xf32, #tpu.memory_space<hbm>> -> memref<1x20x128xf32, #tpu.memory_space<hbm>>
      %dma_start3A_1225 = tpu.memref_squeeze %dma_start3A_1224 : memref<1x20x128xf32, #tpu.memory_space<hbm>> -> memref<20x128xf32, #tpu.memory_space<hbm>>
      %dma_start3A_1226 = arith.constant 0 : i32
      %dma_start3A_1227 = arith.constant 0 : i32
      %dma_start3A_1228 = tpu.memref_slice %arg4[%add3A_1213, %dma_start3A_1226, %dma_start3A_1227] : memref<16384x20x128xf32, #tpu.memory_space<hbm>> -> memref<1x20x128xf32, #tpu.memory_space<hbm>>
      %dma_start3A_1229 = tpu.memref_squeeze %dma_start3A_1228 : memref<1x20x128xf32, #tpu.memory_space<hbm>> -> memref<20x128xf32, #tpu.memory_space<hbm>>
      %dma_start3A_1230 = arith.constant 0 : i32
      %dma_start3A_1231 = arith.constant 0 : i32
      %dma_start3A_1232 = tpu.memref_slice %arg7[%dma_start3A_1214, %dma_start3A_1230, %dma_start3A_1231] : memref<2x80x128xf32, #tpu.memory_space<vmem>> -> memref<1x80x128xf32, #tpu.memory_space<vmem>>
      %dma_start3A_1233 = tpu.memref_squeeze %dma_start3A_1232 : memref<1x80x128xf32, #tpu.memory_space<vmem>> -> memref<80x128xf32, #tpu.memory_space<vmem>>
      %dma_start3A_1234 = arith.constant 0 : i32
      %dma_start3A_1235 = arith.constant 0 : i32
      %dma_start3A_1236 = tpu.memref_slice %dma_start3A_1233[%dma_start3A_1234, %dma_start3A_1235] : memref<80x128xf32, #tpu.memory_space<vmem>> -> memref<20x128xf32, #tpu.memory_space<vmem>>
      tpu.enqueue_dma source(%dma_start3A_1236 : memref<20x128xf32, #tpu.memory_space<vmem>>) target(%dma_start3A_1229 : memref<20x128xf32, #tpu.memory_space<hbm>>) target_semaphore(%arg12 : memref<!tpu.dma_semaphore, #tpu.memory_space<semaphore_mem>>)
      %mul3A_1237 = arith.constant 4 : i32
      %mul3A_1238 = arith.muli %add3A_982, %mul3A_1237 : i32
      %add3A_1239 = arith.addi %mul3A_4, %mul3A_1238 : i32
      %add3A_1240 = arith.constant 1 : i32
      %add3A_1241 = arith.addi %add3A_1239, %add3A_1240 : i32
      %dma_start3A_1242 = arith.constant 1 : i32
      %dma_start3A_1243 = arith.constant 0 : i32
      %dma_start3A_1244 = arith.constant 0 : i32
      %dma_start3A_1245 = tpu.memref_slice %arg7[%dma_start3A_1242, %dma_start3A_1243, %dma_start3A_1244] : memref<2x80x128xf32, #tpu.memory_space<vmem>> -> memref<1x80x128xf32, #tpu.memory_space<vmem>>
      %dma_start3A_1246 = tpu.memref_squeeze %dma_start3A_1245 : memref<1x80x128xf32, #tpu.memory_space<vmem>> -> memref<80x128xf32, #tpu.memory_space<vmem>>
      %dma_start3A_1247 = arith.constant 20 : i32
      %dma_start3A_1248 = arith.constant 0 : i32
      %dma_start3A_1249 = tpu.memref_slice %dma_start3A_1246[%dma_start3A_1247, %dma_start3A_1248] : memref<80x128xf32, #tpu.memory_space<vmem>> -> memref<20x128xf32, #tpu.memory_space<vmem>>
      %dma_start3A_1250 = arith.constant 0 : i32
      %dma_start3A_1251 = arith.constant 0 : i32
      %dma_start3A_1252 = tpu.memref_slice %arg4[%add3A_1241, %dma_start3A_1250, %dma_start3A_1251] : memref<16384x20x128xf32, #tpu.memory_space<hbm>> -> memref<1x20x128xf32, #tpu.memory_space<hbm>>
      %dma_start3A_1253 = tpu.memref_squeeze %dma_start3A_1252 : memref<1x20x128xf32, #tpu.memory_space<hbm>> -> memref<20x128xf32, #tpu.memory_space<hbm>>
      %dma_start3A_1254 = arith.constant 0 : i32
      %dma_start3A_1255 = arith.constant 0 : i32
      %dma_start3A_1256 = tpu.memref_slice %arg4[%add3A_1241, %dma_start3A_1254, %dma_start3A_1255] : memref<16384x20x128xf32, #tpu.memory_space<hbm>> -> memref<1x20x128xf32, #tpu.memory_space<hbm>>
      %dma_start3A_1257 = tpu.memref_squeeze %dma_start3A_1256 : memref<1x20x128xf32, #tpu.memory_space<hbm>> -> memref<20x128xf32, #tpu.memory_space<hbm>>
      %dma_start3A_1258 = arith.constant 0 : i32
      %dma_start3A_1259 = arith.constant 0 : i32
      %dma_start3A_1260 = tpu.memref_slice %arg7[%dma_start3A_1242, %dma_start3A_1258, %dma_start3A_1259] : memref<2x80x128xf32, #tpu.memory_space<vmem>> -> memref<1x80x128xf32, #tpu.memory_space<vmem>>
      %dma_start3A_1261 = tpu.memref_squeeze %dma_start3A_1260 : memref<1x80x128xf32, #tpu.memory_space<vmem>> -> memref<80x128xf32, #tpu.memory_space<vmem>>
      %dma_start3A_1262 = arith.constant 20 : i32
      %dma_start3A_1263 = arith.constant 0 : i32
      %dma_start3A_1264 = tpu.memref_slice %dma_start3A_1261[%dma_start3A_1262, %dma_start3A_1263] : memref<80x128xf32, #tpu.memory_space<vmem>> -> memref<20x128xf32, #tpu.memory_space<vmem>>
      tpu.enqueue_dma source(%dma_start3A_1264 : memref<20x128xf32, #tpu.memory_space<vmem>>) target(%dma_start3A_1257 : memref<20x128xf32, #tpu.memory_space<hbm>>) target_semaphore(%arg12 : memref<!tpu.dma_semaphore, #tpu.memory_space<semaphore_mem>>)
      %mul3A_1265 = arith.constant 4 : i32
      %mul3A_1266 = arith.muli %add3A_982, %mul3A_1265 : i32
      %add3A_1267 = arith.addi %mul3A_4, %mul3A_1266 : i32
      %add3A_1268 = arith.constant 2 : i32
      %add3A_1269 = arith.addi %add3A_1267, %add3A_1268 : i32
      %dma_start3A_1270 = arith.constant 1 : i32
      %dma_start3A_1271 = arith.constant 0 : i32
      %dma_start3A_1272 = arith.constant 0 : i32
      %dma_start3A_1273 = tpu.memref_slice %arg7[%dma_start3A_1270, %dma_start3A_1271, %dma_start3A_1272] : memref<2x80x128xf32, #tpu.memory_space<vmem>> -> memref<1x80x128xf32, #tpu.memory_space<vmem>>
      %dma_start3A_1274 = tpu.memref_squeeze %dma_start3A_1273 : memref<1x80x128xf32, #tpu.memory_space<vmem>> -> memref<80x128xf32, #tpu.memory_space<vmem>>
      %dma_start3A_1275 = arith.constant 40 : i32
      %dma_start3A_1276 = arith.constant 0 : i32
      %dma_start3A_1277 = tpu.memref_slice %dma_start3A_1274[%dma_start3A_1275, %dma_start3A_1276] : memref<80x128xf32, #tpu.memory_space<vmem>> -> memref<20x128xf32, #tpu.memory_space<vmem>>
      %dma_start3A_1278 = arith.constant 0 : i32
      %dma_start3A_1279 = arith.constant 0 : i32
      %dma_start3A_1280 = tpu.memref_slice %arg4[%add3A_1269, %dma_start3A_1278, %dma_start3A_1279] : memref<16384x20x128xf32, #tpu.memory_space<hbm>> -> memref<1x20x128xf32, #tpu.memory_space<hbm>>
      %dma_start3A_1281 = tpu.memref_squeeze %dma_start3A_1280 : memref<1x20x128xf32, #tpu.memory_space<hbm>> -> memref<20x128xf32, #tpu.memory_space<hbm>>
      %dma_start3A_1282 = arith.constant 0 : i32
      %dma_start3A_1283 = arith.constant 0 : i32
      %dma_start3A_1284 = tpu.memref_slice %arg4[%add3A_1269, %dma_start3A_1282, %dma_start3A_1283] : memref<16384x20x128xf32, #tpu.memory_space<hbm>> -> memref<1x20x128xf32, #tpu.memory_space<hbm>>
      %dma_start3A_1285 = tpu.memref_squeeze %dma_start3A_1284 : memref<1x20x128xf32, #tpu.memory_space<hbm>> -> memref<20x128xf32, #tpu.memory_space<hbm>>
      %dma_start3A_1286 = arith.constant 0 : i32
      %dma_start3A_1287 = arith.constant 0 : i32
      %dma_start3A_1288 = tpu.memref_slice %arg7[%dma_start3A_1270, %dma_start3A_1286, %dma_start3A_1287] : memref<2x80x128xf32, #tpu.memory_space<vmem>> -> memref<1x80x128xf32, #tpu.memory_space<vmem>>
      %dma_start3A_1289 = tpu.memref_squeeze %dma_start3A_1288 : memref<1x80x128xf32, #tpu.memory_space<vmem>> -> memref<80x128xf32, #tpu.memory_space<vmem>>
      %dma_start3A_1290 = arith.constant 40 : i32
      %dma_start3A_1291 = arith.constant 0 : i32
      %dma_start3A_1292 = tpu.memref_slice %dma_start3A_1289[%dma_start3A_1290, %dma_start3A_1291] : memref<80x128xf32, #tpu.memory_space<vmem>> -> memref<20x128xf32, #tpu.memory_space<vmem>>
      tpu.enqueue_dma source(%dma_start3A_1292 : memref<20x128xf32, #tpu.memory_space<vmem>>) target(%dma_start3A_1285 : memref<20x128xf32, #tpu.memory_space<hbm>>) target_semaphore(%arg12 : memref<!tpu.dma_semaphore, #tpu.memory_space<semaphore_mem>>)
      %mul3A_1293 = arith.constant 4 : i32
      %mul3A_1294 = arith.muli %add3A_982, %mul3A_1293 : i32
      %add3A_1295 = arith.addi %mul3A_4, %mul3A_1294 : i32
      %add3A_1296 = arith.constant 3 : i32
      %add3A_1297 = arith.addi %add3A_1295, %add3A_1296 : i32
      %dma_start3A_1298 = arith.constant 1 : i32
      %dma_start3A_1299 = arith.constant 0 : i32
      %dma_start3A_1300 = arith.constant 0 : i32
      %dma_start3A_1301 = tpu.memref_slice %arg7[%dma_start3A_1298, %dma_start3A_1299, %dma_start3A_1300] : memref<2x80x128xf32, #tpu.memory_space<vmem>> -> memref<1x80x128xf32, #tpu.memory_space<vmem>>
      %dma_start3A_1302 = tpu.memref_squeeze %dma_start3A_1301 : memref<1x80x128xf32, #tpu.memory_space<vmem>> -> memref<80x128xf32, #tpu.memory_space<vmem>>
      %dma_start3A_1303 = arith.constant 60 : i32
      %dma_start3A_1304 = arith.constant 0 : i32
      %dma_start3A_1305 = tpu.memref_slice %dma_start3A_1302[%dma_start3A_1303, %dma_start3A_1304] : memref<80x128xf32, #tpu.memory_space<vmem>> -> memref<20x128xf32, #tpu.memory_space<vmem>>
      %dma_start3A_1306 = arith.constant 0 : i32
      %dma_start3A_1307 = arith.constant 0 : i32
      %dma_start3A_1308 = tpu.memref_slice %arg4[%add3A_1297, %dma_start3A_1306, %dma_start3A_1307] : memref<16384x20x128xf32, #tpu.memory_space<hbm>> -> memref<1x20x128xf32, #tpu.memory_space<hbm>>
      %dma_start3A_1309 = tpu.memref_squeeze %dma_start3A_1308 : memref<1x20x128xf32, #tpu.memory_space<hbm>> -> memref<20x128xf32, #tpu.memory_space<hbm>>
      %dma_start3A_1310 = arith.constant 0 : i32
      %dma_start3A_1311 = arith.constant 0 : i32
      %dma_start3A_1312 = tpu.memref_slice %arg4[%add3A_1297, %dma_start3A_1310, %dma_start3A_1311] : memref<16384x20x128xf32, #tpu.memory_space<hbm>> -> memref<1x20x128xf32, #tpu.memory_space<hbm>>
      %dma_start3A_1313 = tpu.memref_squeeze %dma_start3A_1312 : memref<1x20x128xf32, #tpu.memory_space<hbm>> -> memref<20x128xf32, #tpu.memory_space<hbm>>
      %dma_start3A_1314 = arith.constant 0 : i32
      %dma_start3A_1315 = arith.constant 0 : i32
      %dma_start3A_1316 = tpu.memref_slice %arg7[%dma_start3A_1298, %dma_start3A_1314, %dma_start3A_1315] : memref<2x80x128xf32, #tpu.memory_space<vmem>> -> memref<1x80x128xf32, #tpu.memory_space<vmem>>
      %dma_start3A_1317 = tpu.memref_squeeze %dma_start3A_1316 : memref<1x80x128xf32, #tpu.memory_space<vmem>> -> memref<80x128xf32, #tpu.memory_space<vmem>>
      %dma_start3A_1318 = arith.constant 60 : i32
      %dma_start3A_1319 = arith.constant 0 : i32
      %dma_start3A_1320 = tpu.memref_slice %dma_start3A_1317[%dma_start3A_1318, %dma_start3A_1319] : memref<80x128xf32, #tpu.memory_space<vmem>> -> memref<20x128xf32, #tpu.memory_space<vmem>>
      tpu.enqueue_dma source(%dma_start3A_1320 : memref<20x128xf32, #tpu.memory_space<vmem>>) target(%dma_start3A_1313 : memref<20x128xf32, #tpu.memory_space<hbm>>) target_semaphore(%arg12 : memref<!tpu.dma_semaphore, #tpu.memory_space<semaphore_mem>>)
    }
    %scan3A_451 = arith.constant 63 : i32
    %dma_wait3A_452 = arith.constant 0 : i32
    %dma_wait3A_453 = arith.constant 0 : i32
    %dma_wait3A_454 = arith.constant 0 : i32
    %dma_wait3A_455 = tpu.memref_slice %arg7[%dma_wait3A_452, %dma_wait3A_453, %dma_wait3A_454] : memref<2x80x128xf32, #tpu.memory_space<vmem>> -> memref<1x80x128xf32, #tpu.memory_space<vmem>>
    %dma_wait3A_456 = tpu.memref_squeeze %dma_wait3A_455 : memref<1x80x128xf32, #tpu.memory_space<vmem>> -> memref<80x128xf32, #tpu.memory_space<vmem>>
    %dma_wait3A_457 = arith.constant 0 : i32
    %dma_wait3A_458 = arith.constant 0 : i32
    %dma_wait3A_459 = tpu.memref_slice %dma_wait3A_456[%dma_wait3A_457, %dma_wait3A_458] : memref<80x128xf32, #tpu.memory_space<vmem>> -> memref<20x128xf32, #tpu.memory_space<vmem>>
    %dma_wait3A_460 = arith.constant 0 : i32
    %dma_wait3A_461 = arith.constant 0 : i32
    %dma_wait3A_462 = tpu.memref_slice %arg4[%mul3A_4, %dma_wait3A_460, %dma_wait3A_461] : memref<16384x20x128xf32, #tpu.memory_space<hbm>> -> memref<1x20x128xf32, #tpu.memory_space<hbm>>
    %dma_wait3A_463 = tpu.memref_squeeze %dma_wait3A_462 : memref<1x20x128xf32, #tpu.memory_space<hbm>> -> memref<20x128xf32, #tpu.memory_space<hbm>>
    %dma_wait3A_464 = arith.constant 0 : i32
    %dma_wait3A_465 = arith.constant 0 : i32
    %dma_wait3A_466 = tpu.memref_slice %arg4[%mul3A_4, %dma_wait3A_464, %dma_wait3A_465] : memref<16384x20x128xf32, #tpu.memory_space<hbm>> -> memref<1x20x128xf32, #tpu.memory_space<hbm>>
    %dma_wait3A_467 = tpu.memref_squeeze %dma_wait3A_466 : memref<1x20x128xf32, #tpu.memory_space<hbm>> -> memref<20x128xf32, #tpu.memory_space<hbm>>
    %dma_wait3A_468 = arith.constant 0 : i32
    %dma_wait3A_469 = arith.constant 0 : i32
    %dma_wait3A_470 = tpu.memref_slice %arg7[%dma_wait3A_452, %dma_wait3A_468, %dma_wait3A_469] : memref<2x80x128xf32, #tpu.memory_space<vmem>> -> memref<1x80x128xf32, #tpu.memory_space<vmem>>
    %dma_wait3A_471 = tpu.memref_squeeze %dma_wait3A_470 : memref<1x80x128xf32, #tpu.memory_space<vmem>> -> memref<80x128xf32, #tpu.memory_space<vmem>>
    %dma_wait3A_472 = arith.constant 0 : i32
    %dma_wait3A_473 = arith.constant 0 : i32
    %dma_wait3A_474 = tpu.memref_slice %dma_wait3A_471[%dma_wait3A_472, %dma_wait3A_473] : memref<80x128xf32, #tpu.memory_space<vmem>> -> memref<20x128xf32, #tpu.memory_space<vmem>>
    tpu.wait_dma2 semaphore(%arg11 : memref<!tpu.dma_semaphore, #tpu.memory_space<semaphore_mem>>) src(%dma_wait3A_474 : memref<20x128xf32, #tpu.memory_space<vmem>>) dst(%dma_wait3A_467 : memref<20x128xf32, #tpu.memory_space<hbm>>)
    %dma_wait3A_475 = arith.constant 0 : i32
    %dma_wait3A_476 = arith.constant 0 : i32
    %dma_wait3A_477 = arith.constant 0 : i32
    %dma_wait3A_478 = tpu.memref_slice %arg7[%dma_wait3A_475, %dma_wait3A_476, %dma_wait3A_477] : memref<2x80x128xf32, #tpu.memory_space<vmem>> -> memref<1x80x128xf32, #tpu.memory_space<vmem>>
    %dma_wait3A_479 = tpu.memref_squeeze %dma_wait3A_478 : memref<1x80x128xf32, #tpu.memory_space<vmem>> -> memref<80x128xf32, #tpu.memory_space<vmem>>
    %dma_wait3A_480 = arith.constant 20 : i32
    %dma_wait3A_481 = arith.constant 0 : i32
    %dma_wait3A_482 = tpu.memref_slice %dma_wait3A_479[%dma_wait3A_480, %dma_wait3A_481] : memref<80x128xf32, #tpu.memory_space<vmem>> -> memref<20x128xf32, #tpu.memory_space<vmem>>
    %dma_wait3A_483 = arith.constant 0 : i32
    %dma_wait3A_484 = arith.constant 0 : i32
    %dma_wait3A_485 = tpu.memref_slice %arg4[%mul3A_4, %dma_wait3A_483, %dma_wait3A_484] : memref<16384x20x128xf32, #tpu.memory_space<hbm>> -> memref<1x20x128xf32, #tpu.memory_space<hbm>>
    %dma_wait3A_486 = tpu.memref_squeeze %dma_wait3A_485 : memref<1x20x128xf32, #tpu.memory_space<hbm>> -> memref<20x128xf32, #tpu.memory_space<hbm>>
    %dma_wait3A_487 = arith.constant 0 : i32
    %dma_wait3A_488 = arith.constant 0 : i32
    %dma_wait3A_489 = tpu.memref_slice %arg4[%mul3A_4, %dma_wait3A_487, %dma_wait3A_488] : memref<16384x20x128xf32, #tpu.memory_space<hbm>> -> memref<1x20x128xf32, #tpu.memory_space<hbm>>
    %dma_wait3A_490 = tpu.memref_squeeze %dma_wait3A_489 : memref<1x20x128xf32, #tpu.memory_space<hbm>> -> memref<20x128xf32, #tpu.memory_space<hbm>>
    %dma_wait3A_491 = arith.constant 0 : i32
    %dma_wait3A_492 = arith.constant 0 : i32
    %dma_wait3A_493 = tpu.memref_slice %arg7[%dma_wait3A_475, %dma_wait3A_491, %dma_wait3A_492] : memref<2x80x128xf32, #tpu.memory_space<vmem>> -> memref<1x80x128xf32, #tpu.memory_space<vmem>>
    %dma_wait3A_494 = tpu.memref_squeeze %dma_wait3A_493 : memref<1x80x128xf32, #tpu.memory_space<vmem>> -> memref<80x128xf32, #tpu.memory_space<vmem>>
    %dma_wait3A_495 = arith.constant 20 : i32
    %dma_wait3A_496 = arith.constant 0 : i32
    %dma_wait3A_497 = tpu.memref_slice %dma_wait3A_494[%dma_wait3A_495, %dma_wait3A_496] : memref<80x128xf32, #tpu.memory_space<vmem>> -> memref<20x128xf32, #tpu.memory_space<vmem>>
    tpu.wait_dma2 semaphore(%arg11 : memref<!tpu.dma_semaphore, #tpu.memory_space<semaphore_mem>>) src(%dma_wait3A_497 : memref<20x128xf32, #tpu.memory_space<vmem>>) dst(%dma_wait3A_490 : memref<20x128xf32, #tpu.memory_space<hbm>>)
    %dma_wait3A_498 = arith.constant 0 : i32
    %dma_wait3A_499 = arith.constant 0 : i32
    %dma_wait3A_500 = arith.constant 0 : i32
    %dma_wait3A_501 = tpu.memref_slice %arg7[%dma_wait3A_498, %dma_wait3A_499, %dma_wait3A_500] : memref<2x80x128xf32, #tpu.memory_space<vmem>> -> memref<1x80x128xf32, #tpu.memory_space<vmem>>
    %dma_wait3A_502 = tpu.memref_squeeze %dma_wait3A_501 : memref<1x80x128xf32, #tpu.memory_space<vmem>> -> memref<80x128xf32, #tpu.memory_space<vmem>>
    %dma_wait3A_503 = arith.constant 40 : i32
    %dma_wait3A_504 = arith.constant 0 : i32
    %dma_wait3A_505 = tpu.memref_slice %dma_wait3A_502[%dma_wait3A_503, %dma_wait3A_504] : memref<80x128xf32, #tpu.memory_space<vmem>> -> memref<20x128xf32, #tpu.memory_space<vmem>>
    %dma_wait3A_506 = arith.constant 0 : i32
    %dma_wait3A_507 = arith.constant 0 : i32
    %dma_wait3A_508 = tpu.memref_slice %arg4[%mul3A_4, %dma_wait3A_506, %dma_wait3A_507] : memref<16384x20x128xf32, #tpu.memory_space<hbm>> -> memref<1x20x128xf32, #tpu.memory_space<hbm>>
    %dma_wait3A_509 = tpu.memref_squeeze %dma_wait3A_508 : memref<1x20x128xf32, #tpu.memory_space<hbm>> -> memref<20x128xf32, #tpu.memory_space<hbm>>
    %dma_wait3A_510 = arith.constant 0 : i32
    %dma_wait3A_511 = arith.constant 0 : i32
    %dma_wait3A_512 = tpu.memref_slice %arg4[%mul3A_4, %dma_wait3A_510, %dma_wait3A_511] : memref<16384x20x128xf32, #tpu.memory_space<hbm>> -> memref<1x20x128xf32, #tpu.memory_space<hbm>>
    %dma_wait3A_513 = tpu.memref_squeeze %dma_wait3A_512 : memref<1x20x128xf32, #tpu.memory_space<hbm>> -> memref<20x128xf32, #tpu.memory_space<hbm>>
    %dma_wait3A_514 = arith.constant 0 : i32
    %dma_wait3A_515 = arith.constant 0 : i32
    %dma_wait3A_516 = tpu.memref_slice %arg7[%dma_wait3A_498, %dma_wait3A_514, %dma_wait3A_515] : memref<2x80x128xf32, #tpu.memory_space<vmem>> -> memref<1x80x128xf32, #tpu.memory_space<vmem>>
    %dma_wait3A_517 = tpu.memref_squeeze %dma_wait3A_516 : memref<1x80x128xf32, #tpu.memory_space<vmem>> -> memref<80x128xf32, #tpu.memory_space<vmem>>
    %dma_wait3A_518 = arith.constant 40 : i32
    %dma_wait3A_519 = arith.constant 0 : i32
    %dma_wait3A_520 = tpu.memref_slice %dma_wait3A_517[%dma_wait3A_518, %dma_wait3A_519] : memref<80x128xf32, #tpu.memory_space<vmem>> -> memref<20x128xf32, #tpu.memory_space<vmem>>
    tpu.wait_dma2 semaphore(%arg11 : memref<!tpu.dma_semaphore, #tpu.memory_space<semaphore_mem>>) src(%dma_wait3A_520 : memref<20x128xf32, #tpu.memory_space<vmem>>) dst(%dma_wait3A_513 : memref<20x128xf32, #tpu.memory_space<hbm>>)
    %dma_wait3A_521 = arith.constant 0 : i32
    %dma_wait3A_522 = arith.constant 0 : i32
    %dma_wait3A_523 = arith.constant 0 : i32
    %dma_wait3A_524 = tpu.memref_slice %arg7[%dma_wait3A_521, %dma_wait3A_522, %dma_wait3A_523] : memref<2x80x128xf32, #tpu.memory_space<vmem>> -> memref<1x80x128xf32, #tpu.memory_space<vmem>>
    %dma_wait3A_525 = tpu.memref_squeeze %dma_wait3A_524 : memref<1x80x128xf32, #tpu.memory_space<vmem>> -> memref<80x128xf32, #tpu.memory_space<vmem>>
    %dma_wait3A_526 = arith.constant 60 : i32
    %dma_wait3A_527 = arith.constant 0 : i32
    %dma_wait3A_528 = tpu.memref_slice %dma_wait3A_525[%dma_wait3A_526, %dma_wait3A_527] : memref<80x128xf32, #tpu.memory_space<vmem>> -> memref<20x128xf32, #tpu.memory_space<vmem>>
    %dma_wait3A_529 = arith.constant 0 : i32
    %dma_wait3A_530 = arith.constant 0 : i32
    %dma_wait3A_531 = tpu.memref_slice %arg4[%mul3A_4, %dma_wait3A_529, %dma_wait3A_530] : memref<16384x20x128xf32, #tpu.memory_space<hbm>> -> memref<1x20x128xf32, #tpu.memory_space<hbm>>
    %dma_wait3A_532 = tpu.memref_squeeze %dma_wait3A_531 : memref<1x20x128xf32, #tpu.memory_space<hbm>> -> memref<20x128xf32, #tpu.memory_space<hbm>>
    %dma_wait3A_533 = arith.constant 0 : i32
    %dma_wait3A_534 = arith.constant 0 : i32
    %dma_wait3A_535 = tpu.memref_slice %arg4[%mul3A_4, %dma_wait3A_533, %dma_wait3A_534] : memref<16384x20x128xf32, #tpu.memory_space<hbm>> -> memref<1x20x128xf32, #tpu.memory_space<hbm>>
    %dma_wait3A_536 = tpu.memref_squeeze %dma_wait3A_535 : memref<1x20x128xf32, #tpu.memory_space<hbm>> -> memref<20x128xf32, #tpu.memory_space<hbm>>
    %dma_wait3A_537 = arith.constant 0 : i32
    %dma_wait3A_538 = arith.constant 0 : i32
    %dma_wait3A_539 = tpu.memref_slice %arg7[%dma_wait3A_521, %dma_wait3A_537, %dma_wait3A_538] : memref<2x80x128xf32, #tpu.memory_space<vmem>> -> memref<1x80x128xf32, #tpu.memory_space<vmem>>
    %dma_wait3A_540 = tpu.memref_squeeze %dma_wait3A_539 : memref<1x80x128xf32, #tpu.memory_space<vmem>> -> memref<80x128xf32, #tpu.memory_space<vmem>>
    %dma_wait3A_541 = arith.constant 60 : i32
    %dma_wait3A_542 = arith.constant 0 : i32
    %dma_wait3A_543 = tpu.memref_slice %dma_wait3A_540[%dma_wait3A_541, %dma_wait3A_542] : memref<80x128xf32, #tpu.memory_space<vmem>> -> memref<20x128xf32, #tpu.memory_space<vmem>>
    tpu.wait_dma2 semaphore(%arg11 : memref<!tpu.dma_semaphore, #tpu.memory_space<semaphore_mem>>) src(%dma_wait3A_543 : memref<20x128xf32, #tpu.memory_space<vmem>>) dst(%dma_wait3A_536 : memref<20x128xf32, #tpu.memory_space<hbm>>)
    %dma_wait3A_544 = arith.constant 1 : i32
    %dma_wait3A_545 = arith.constant 0 : i32
    %dma_wait3A_546 = arith.constant 0 : i32
    %dma_wait3A_547 = tpu.memref_slice %arg7[%dma_wait3A_544, %dma_wait3A_545, %dma_wait3A_546] : memref<2x80x128xf32, #tpu.memory_space<vmem>> -> memref<1x80x128xf32, #tpu.memory_space<vmem>>
    %dma_wait3A_548 = tpu.memref_squeeze %dma_wait3A_547 : memref<1x80x128xf32, #tpu.memory_space<vmem>> -> memref<80x128xf32, #tpu.memory_space<vmem>>
    %dma_wait3A_549 = arith.constant 0 : i32
    %dma_wait3A_550 = arith.constant 0 : i32
    %dma_wait3A_551 = tpu.memref_slice %dma_wait3A_548[%dma_wait3A_549, %dma_wait3A_550] : memref<80x128xf32, #tpu.memory_space<vmem>> -> memref<20x128xf32, #tpu.memory_space<vmem>>
    %dma_wait3A_552 = arith.constant 0 : i32
    %dma_wait3A_553 = arith.constant 0 : i32
    %dma_wait3A_554 = tpu.memref_slice %arg4[%mul3A_4, %dma_wait3A_552, %dma_wait3A_553] : memref<16384x20x128xf32, #tpu.memory_space<hbm>> -> memref<1x20x128xf32, #tpu.memory_space<hbm>>
    %dma_wait3A_555 = tpu.memref_squeeze %dma_wait3A_554 : memref<1x20x128xf32, #tpu.memory_space<hbm>> -> memref<20x128xf32, #tpu.memory_space<hbm>>
    %dma_wait3A_556 = arith.constant 0 : i32
    %dma_wait3A_557 = arith.constant 0 : i32
    %dma_wait3A_558 = tpu.memref_slice %arg4[%mul3A_4, %dma_wait3A_556, %dma_wait3A_557] : memref<16384x20x128xf32, #tpu.memory_space<hbm>> -> memref<1x20x128xf32, #tpu.memory_space<hbm>>
    %dma_wait3A_559 = tpu.memref_squeeze %dma_wait3A_558 : memref<1x20x128xf32, #tpu.memory_space<hbm>> -> memref<20x128xf32, #tpu.memory_space<hbm>>
    %dma_wait3A_560 = arith.constant 0 : i32
    %dma_wait3A_561 = arith.constant 0 : i32
    %dma_wait3A_562 = tpu.memref_slice %arg7[%dma_wait3A_544, %dma_wait3A_560, %dma_wait3A_561] : memref<2x80x128xf32, #tpu.memory_space<vmem>> -> memref<1x80x128xf32, #tpu.memory_space<vmem>>
    %dma_wait3A_563 = tpu.memref_squeeze %dma_wait3A_562 : memref<1x80x128xf32, #tpu.memory_space<vmem>> -> memref<80x128xf32, #tpu.memory_space<vmem>>
    %dma_wait3A_564 = arith.constant 0 : i32
    %dma_wait3A_565 = arith.constant 0 : i32
    %dma_wait3A_566 = tpu.memref_slice %dma_wait3A_563[%dma_wait3A_564, %dma_wait3A_565] : memref<80x128xf32, #tpu.memory_space<vmem>> -> memref<20x128xf32, #tpu.memory_space<vmem>>
    tpu.wait_dma2 semaphore(%arg12 : memref<!tpu.dma_semaphore, #tpu.memory_space<semaphore_mem>>) src(%dma_wait3A_566 : memref<20x128xf32, #tpu.memory_space<vmem>>) dst(%dma_wait3A_559 : memref<20x128xf32, #tpu.memory_space<hbm>>)
    %dma_wait3A_567 = arith.constant 1 : i32
    %dma_wait3A_568 = arith.constant 0 : i32
    %dma_wait3A_569 = arith.constant 0 : i32
    %dma_wait3A_570 = tpu.memref_slice %arg7[%dma_wait3A_567, %dma_wait3A_568, %dma_wait3A_569] : memref<2x80x128xf32, #tpu.memory_space<vmem>> -> memref<1x80x128xf32, #tpu.memory_space<vmem>>
    %dma_wait3A_571 = tpu.memref_squeeze %dma_wait3A_570 : memref<1x80x128xf32, #tpu.memory_space<vmem>> -> memref<80x128xf32, #tpu.memory_space<vmem>>
    %dma_wait3A_572 = arith.constant 20 : i32
    %dma_wait3A_573 = arith.constant 0 : i32
    %dma_wait3A_574 = tpu.memref_slice %dma_wait3A_571[%dma_wait3A_572, %dma_wait3A_573] : memref<80x128xf32, #tpu.memory_space<vmem>> -> memref<20x128xf32, #tpu.memory_space<vmem>>
    %dma_wait3A_575 = arith.constant 0 : i32
    %dma_wait3A_576 = arith.constant 0 : i32
    %dma_wait3A_577 = tpu.memref_slice %arg4[%mul3A_4, %dma_wait3A_575, %dma_wait3A_576] : memref<16384x20x128xf32, #tpu.memory_space<hbm>> -> memref<1x20x128xf32, #tpu.memory_space<hbm>>
    %dma_wait3A_578 = tpu.memref_squeeze %dma_wait3A_577 : memref<1x20x128xf32, #tpu.memory_space<hbm>> -> memref<20x128xf32, #tpu.memory_space<hbm>>
    %dma_wait3A_579 = arith.constant 0 : i32
    %dma_wait3A_580 = arith.constant 0 : i32
    %dma_wait3A_581 = tpu.memref_slice %arg4[%mul3A_4, %dma_wait3A_579, %dma_wait3A_580] : memref<16384x20x128xf32, #tpu.memory_space<hbm>> -> memref<1x20x128xf32, #tpu.memory_space<hbm>>
    %dma_wait3A_582 = tpu.memref_squeeze %dma_wait3A_581 : memref<1x20x128xf32, #tpu.memory_space<hbm>> -> memref<20x128xf32, #tpu.memory_space<hbm>>
    %dma_wait3A_583 = arith.constant 0 : i32
    %dma_wait3A_584 = arith.constant 0 : i32
    %dma_wait3A_585 = tpu.memref_slice %arg7[%dma_wait3A_567, %dma_wait3A_583, %dma_wait3A_584] : memref<2x80x128xf32, #tpu.memory_space<vmem>> -> memref<1x80x128xf32, #tpu.memory_space<vmem>>
    %dma_wait3A_586 = tpu.memref_squeeze %dma_wait3A_585 : memref<1x80x128xf32, #tpu.memory_space<vmem>> -> memref<80x128xf32, #tpu.memory_space<vmem>>
    %dma_wait3A_587 = arith.constant 20 : i32
    %dma_wait3A_588 = arith.constant 0 : i32
    %dma_wait3A_589 = tpu.memref_slice %dma_wait3A_586[%dma_wait3A_587, %dma_wait3A_588] : memref<80x128xf32, #tpu.memory_space<vmem>> -> memref<20x128xf32, #tpu.memory_space<vmem>>
    tpu.wait_dma2 semaphore(%arg12 : memref<!tpu.dma_semaphore, #tpu.memory_space<semaphore_mem>>) src(%dma_wait3A_589 : memref<20x128xf32, #tpu.memory_space<vmem>>) dst(%dma_wait3A_582 : memref<20x128xf32, #tpu.memory_space<hbm>>)
    %dma_wait3A_590 = arith.constant 1 : i32
    %dma_wait3A_591 = arith.constant 0 : i32
    %dma_wait3A_592 = arith.constant 0 : i32
    %dma_wait3A_593 = tpu.memref_slice %arg7[%dma_wait3A_590, %dma_wait3A_591, %dma_wait3A_592] : memref<2x80x128xf32, #tpu.memory_space<vmem>> -> memref<1x80x128xf32, #tpu.memory_space<vmem>>
    %dma_wait3A_594 = tpu.memref_squeeze %dma_wait3A_593 : memref<1x80x128xf32, #tpu.memory_space<vmem>> -> memref<80x128xf32, #tpu.memory_space<vmem>>
    %dma_wait3A_595 = arith.constant 40 : i32
    %dma_wait3A_596 = arith.constant 0 : i32
    %dma_wait3A_597 = tpu.memref_slice %dma_wait3A_594[%dma_wait3A_595, %dma_wait3A_596] : memref<80x128xf32, #tpu.memory_space<vmem>> -> memref<20x128xf32, #tpu.memory_space<vmem>>
    %dma_wait3A_598 = arith.constant 0 : i32
    %dma_wait3A_599 = arith.constant 0 : i32
    %dma_wait3A_600 = tpu.memref_slice %arg4[%mul3A_4, %dma_wait3A_598, %dma_wait3A_599] : memref<16384x20x128xf32, #tpu.memory_space<hbm>> -> memref<1x20x128xf32, #tpu.memory_space<hbm>>
    %dma_wait3A_601 = tpu.memref_squeeze %dma_wait3A_600 : memref<1x20x128xf32, #tpu.memory_space<hbm>> -> memref<20x128xf32, #tpu.memory_space<hbm>>
    %dma_wait3A_602 = arith.constant 0 : i32
    %dma_wait3A_603 = arith.constant 0 : i32
    %dma_wait3A_604 = tpu.memref_slice %arg4[%mul3A_4, %dma_wait3A_602, %dma_wait3A_603] : memref<16384x20x128xf32, #tpu.memory_space<hbm>> -> memref<1x20x128xf32, #tpu.memory_space<hbm>>
    %dma_wait3A_605 = tpu.memref_squeeze %dma_wait3A_604 : memref<1x20x128xf32, #tpu.memory_space<hbm>> -> memref<20x128xf32, #tpu.memory_space<hbm>>
    %dma_wait3A_606 = arith.constant 0 : i32
    %dma_wait3A_607 = arith.constant 0 : i32
    %dma_wait3A_608 = tpu.memref_slice %arg7[%dma_wait3A_590, %dma_wait3A_606, %dma_wait3A_607] : memref<2x80x128xf32, #tpu.memory_space<vmem>> -> memref<1x80x128xf32, #tpu.memory_space<vmem>>
    %dma_wait3A_609 = tpu.memref_squeeze %dma_wait3A_608 : memref<1x80x128xf32, #tpu.memory_space<vmem>> -> memref<80x128xf32, #tpu.memory_space<vmem>>
    %dma_wait3A_610 = arith.constant 40 : i32
    %dma_wait3A_611 = arith.constant 0 : i32
    %dma_wait3A_612 = tpu.memref_slice %dma_wait3A_609[%dma_wait3A_610, %dma_wait3A_611] : memref<80x128xf32, #tpu.memory_space<vmem>> -> memref<20x128xf32, #tpu.memory_space<vmem>>
    tpu.wait_dma2 semaphore(%arg12 : memref<!tpu.dma_semaphore, #tpu.memory_space<semaphore_mem>>) src(%dma_wait3A_612 : memref<20x128xf32, #tpu.memory_space<vmem>>) dst(%dma_wait3A_605 : memref<20x128xf32, #tpu.memory_space<hbm>>)
    %dma_wait3A_613 = arith.constant 1 : i32
    %dma_wait3A_614 = arith.constant 0 : i32
    %dma_wait3A_615 = arith.constant 0 : i32
    %dma_wait3A_616 = tpu.memref_slice %arg7[%dma_wait3A_613, %dma_wait3A_614, %dma_wait3A_615] : memref<2x80x128xf32, #tpu.memory_space<vmem>> -> memref<1x80x128xf32, #tpu.memory_space<vmem>>
    %dma_wait3A_617 = tpu.memref_squeeze %dma_wait3A_616 : memref<1x80x128xf32, #tpu.memory_space<vmem>> -> memref<80x128xf32, #tpu.memory_space<vmem>>
    %dma_wait3A_618 = arith.constant 60 : i32
    %dma_wait3A_619 = arith.constant 0 : i32
    %dma_wait3A_620 = tpu.memref_slice %dma_wait3A_617[%dma_wait3A_618, %dma_wait3A_619] : memref<80x128xf32, #tpu.memory_space<vmem>> -> memref<20x128xf32, #tpu.memory_space<vmem>>
    %dma_wait3A_621 = arith.constant 0 : i32
    %dma_wait3A_622 = arith.constant 0 : i32
    %dma_wait3A_623 = tpu.memref_slice %arg4[%mul3A_4, %dma_wait3A_621, %dma_wait3A_622] : memref<16384x20x128xf32, #tpu.memory_space<hbm>> -> memref<1x20x128xf32, #tpu.memory_space<hbm>>
    %dma_wait3A_624 = tpu.memref_squeeze %dma_wait3A_623 : memref<1x20x128xf32, #tpu.memory_space<hbm>> -> memref<20x128xf32, #tpu.memory_space<hbm>>
    %dma_wait3A_625 = arith.constant 0 : i32
    %dma_wait3A_626 = arith.constant 0 : i32
    %dma_wait3A_627 = tpu.memref_slice %arg4[%mul3A_4, %dma_wait3A_625, %dma_wait3A_626] : memref<16384x20x128xf32, #tpu.memory_space<hbm>> -> memref<1x20x128xf32, #tpu.memory_space<hbm>>
    %dma_wait3A_628 = tpu.memref_squeeze %dma_wait3A_627 : memref<1x20x128xf32, #tpu.memory_space<hbm>> -> memref<20x128xf32, #tpu.memory_space<hbm>>
    %dma_wait3A_629 = arith.constant 0 : i32
    %dma_wait3A_630 = arith.constant 0 : i32
    %dma_wait3A_631 = tpu.memref_slice %arg7[%dma_wait3A_613, %dma_wait3A_629, %dma_wait3A_630] : memref<2x80x128xf32, #tpu.memory_space<vmem>> -> memref<1x80x128xf32, #tpu.memory_space<vmem>>
    %dma_wait3A_632 = tpu.memref_squeeze %dma_wait3A_631 : memref<1x80x128xf32, #tpu.memory_space<vmem>> -> memref<80x128xf32, #tpu.memory_space<vmem>>
    %dma_wait3A_633 = arith.constant 60 : i32
    %dma_wait3A_634 = arith.constant 0 : i32
    %dma_wait3A_635 = tpu.memref_slice %dma_wait3A_632[%dma_wait3A_633, %dma_wait3A_634] : memref<80x128xf32, #tpu.memory_space<vmem>> -> memref<20x128xf32, #tpu.memory_space<vmem>>
    tpu.wait_dma2 semaphore(%arg12 : memref<!tpu.dma_semaphore, #tpu.memory_space<semaphore_mem>>) src(%dma_wait3A_635 : memref<20x128xf32, #tpu.memory_space<vmem>>) dst(%dma_wait3A_628 : memref<20x128xf32, #tpu.memory_space<hbm>>)
    return
  }
}

</mosaic_0001>

<sc_bundles>
// kernel: kernel.3.cloned.1.call-start
scs
__scs_entry_jumppad:
0x0: {  	(pc) =	sbr.rel $0x88, $3  }
0x1: {  	(tag) =	ssettag $0x0;
	lr =	simm.s32 $0x1  }
0x2: {  	[smem:$0x3F9D] =	sst lr;
	_ =	strace $0xD0000000  }
0x3: {  	_ = 	snop  }
0x4: {  	_ = 	snop  }
0x5: {  	_ = 	snop  }
0x6: {  	_ = 	snop  }
0x7: {  	_ = 	snop  }
__scs_overlays_trampoline_lowered:
0x8: {  	[smem:$0x3FAC] =	sst s0  }
0x9: {  	[smem:$0x3FAD] =	sst s1  }
0xa: {  	[smem:$0x3FAE] =	sst s2  }
0xb: {  	[smem:$0x3FAF] =	sst s3  }
0xc: {  	[smem:$0x3FB0] =	sst s4  }
0xd: {  	[smem:$0x3FB1] =	sst s5  }
0xe: {  	[smem:$0x3FB2] =	sst s6  }
0xf: {  	[smem:$0x3FB3] =	sst s7  }
0x10: {  	[smem:$0x3FB4] =	sst s8  }
0x11: {  	[smem:$0x3FB5] =	sst s9;
	s0 =	simm.s32 @!p0 $0x0  }
0x12: {  	s1 =	sld [smem:$0x3F9B];
	s0 =	simm.s32 @p0 $0x1  }
0x13: {  	[smem:$0x3FB6] =	sst s0;
	s0 =	simm.s32 @!p1 $0x0  }
0x14: {  	s2 =	sld [smem:$0x3F9A];
	s0 =	simm.s32 @p1 $0x1  }
0x15: {  	[smem:$0x3FB7] =	sst s0;
	s0 =	simm.s32 @!p2 $0x0  }
0x16: {  	s3 =	sld [smem:$0x3FDB];
	s0 =	simm.s32 @p2 $0x1  }
0x17: {  	s4 =	simm.s32 $0x1BF5;
	[smem:$0x3FB9] =	sst s0  }
0x18: {  	s0 =	sld [smem:$0x3F9C];
	_ =	swait.ge [sflag:s4], $0x0  }
0x19: {  	s7 =	sld [smem:$0x3F9D]  }
0x1a: {  	s8 =	sadd.s32 $0xFFFFE003, lr  }
0x1b: {  	s9 =	sadd.s32 $0xFFFFFEF7, lr;
	s5 =	simm.s32 $0xFFFFFFFF;
	p2 =	slt.u32 s8, $0xFFFFF086  }
0x1c: {  	p1 =	slt.u32 s9, $0xF7A;
	s5 =	simm.s32 @!p2 $0x0  }
0x1d: {  	s5 =	simm.s32 @p1 $0x1;
	p0 =	seq.s32 s7, s2  }
0x1e: {  	s7 =	smul.u32 @!p0 $0xF7A, s2;
	p2 =	seq.s32 @!p0 s5, $0x0  }
0x1f: {  	s9 =	smul.u32 $0xF7A, s1;
	s8 =	simm.s32 @!p0 $0x1BF5;
	p2 =	por !p2, p0  }
0x20: {  	[sflag:s8] =	ssyncset.s32 @!p0 $0xFFFFF086;
	s6 =	sadd.s32 @!p0 s3, s7;
	s7 =	simm.s32 @!p0 $0x108  }
0x21: {  	s3 =	sadd.s32 s3, s9;
	s6 =	sadd.s32 @!p0 $0x88, s6;
	s7 =	simm.s32 @p2 $0x1082  }
0x22: {  	[simem:s7], [sflag:s8] =	dma.local @!p0 [hbm:s6], $0xF7A  }
0x23: {  	s9 =	sor.u32 $0xD0000000, s2;
	s6 =	simm.s32 $0x108;
	_ =	swait.ge @!p0 [sflag:s8], $0x0  }
0x24: {  	s3 =	sadd.s32 $0x88, s3;
	s6 =	simm.s32 @!p1 $0x1082;
	[sflag:s4] =	ssyncset.s32 $0xFFFFF086  }
0x25: {  	[simem:s6], [sflag:s4] =	dma.local [hbm:s3], $0xF7A  }
0x26: {  	[smem:$0x3F9D] =	sst s1;
	(tag) =	ssettag s2;
	_ =	strace s9  }
0x27: {  	s1 =	sld [smem:$0x3FAD]  }
0x28: {  	s2 =	sld [smem:$0x3FAE]  }
0x29: {  	s4 =	sld [smem:$0x3FB0]  }
0x2a: {  	p0 =	seq.s32 s5, $0x0;
	s5 =	sld [smem:$0x3FB1]  }
0x2b: {  	s6 =	sld [smem:$0x3FB2]  }
0x2c: {  	s7 =	sld [smem:$0x3FB3]  }
0x2d: {  	s3 =	simm.s32 $0x108;
	s8 =	sld [smem:$0x3FB4]  }
0x2e: {  	s3 =	simm.s32 @!p0 $0x1082;
	s9 =	sld [smem:$0x3FB5]  }
0x2f: {  	lr =	sadd.s32 s0, s3;
	s0 =	sld [smem:$0x3FAC]  }
0x30: {  	s3 =	sld [smem:$0x3FAF]  }
0x31: {  	[smem:$0x3FB8] =	sst s10  }
0x32: {  	s10 =	sld [smem:$0x3FB6];
	_ =	sdelay $0x3  }
0x33: {  	p0 =	seq.s32 s10, $0x1;
	s10 =	sld [smem:$0x3FB8];
	_ =	sdelay $0x3  }
0x34: {  	[smem:$0x3FB8] =	sst s10  }
0x35: {  	s10 =	sld [smem:$0x3FB7];
	_ =	sdelay $0x3  }
0x36: {  	p1 =	seq.s32 s10, $0x1;
	s10 =	sld [smem:$0x3FB8];
	_ =	sdelay $0x3  }
0x37: {  	[smem:$0x3FB8] =	sst s10  }
0x38: {  	s10 =	sld [smem:$0x3FB9]  }
0x39: {  	_ = 	snop;
	(pc) =	sbr.ind lr, $3  }
0x3a: {  	_ = 	snop  }
0x3b: {  	_ = 	snop  }
0x3c: {  	p2 =	seq.s32 s10, $0x1;
	s10 =	sld [smem:$0x3FB8]  }
0x3d: {  	_ =	shalt  }
0x3e: {  	_ =	shalt  }
0x3f: {  	_ =	shalt  }
0x40: {  	_ =	shalt  }
0x41: {  	_ =	shalt  }
0x42: {  	_ =	shalt  }
0x43: {  	_ =	shalt  }
0x44: {  	_ =	shalt  }
0x45: {  	_ =	shalt  }
0x46: {  	_ =	shalt  }
0x47: {  	_ =	shalt  }
0x48: {  	_ =	shalt  }
0x49: {  	_ =	shalt  }
0x4a: {  	_ =	shalt  }
0x4b: {  	_ =	shalt  }
0x4c: {  	_ =	shalt  }
0x4d: {  	_ =	shalt  }
0x4e: {  	_ =	shalt  }
0x4f: {  	_ =	shalt  }
0x50: {  	_ =	shalt  }
0x51: {  	_ =	shalt  }
0x52: {  	_ =	shalt  }
0x53: {  	_ =	shalt  }
0x54: {  	_ =	shalt  }
0x55: {  	_ =	shalt  }
0x56: {  	_ =	shalt  }
0x57: {  	_ =	shalt  }
0x58: {  	_ =	shalt  }
0x59: {  	_ =	shalt  }
0x5a: {  	_ =	shalt  }
0x5b: {  	_ =	shalt  }
0x5c: {  	_ =	shalt  }
0x5d: {  	_ =	shalt  }
0x5e: {  	_ =	shalt  }
0x5f: {  	_ =	shalt  }
0x60: {  	_ =	shalt  }
0x61: {  	_ =	shalt  }
0x62: {  	_ =	shalt  }
0x63: {  	_ =	shalt  }
0x64: {  	_ =	shalt  }
0x65: {  	_ =	shalt  }
0x66: {  	_ =	shalt  }
0x67: {  	_ =	shalt  }
0x68: {  	_ =	shalt  }
0x69: {  	_ =	shalt  }
0x6a: {  	_ =	shalt  }
0x6b: {  	_ =	shalt  }
0x6c: {  	_ =	shalt  }
0x6d: {  	_ =	shalt  }
0x6e: {  	_ =	shalt  }
0x6f: {  	_ =	shalt  }
0x70: {  	_ =	shalt  }
0x71: {  	_ =	shalt  }
0x72: {  	_ =	shalt  }
0x73: {  	_ =	shalt  }
0x74: {  	_ =	shalt  }
0x75: {  	_ =	shalt  }
0x76: {  	_ =	shalt  }
0x77: {  	_ =	shalt  }
0x78: {  	_ =	shalt  }
0x79: {  	_ =	shalt  }
0x7a: {  	_ =	shalt  }
0x7b: {  	_ =	shalt  }
0x7c: {  	_ =	shalt  }
0x7d: {  	_ =	shalt  }
0x7e: {  	_ =	shalt  }
0x7f: {  	_ =	shalt  }
0x80: {  	_ =	shalt  }
0x81: {  	_ =	shalt  }
0x82: {  	_ =	shalt  }
0x83: {  	_ =	shalt  }
0x84: {  	_ =	shalt  }
0x85: {  	_ =	shalt  }
0x86: {  	_ =	shalt  }
0x87: {  	_ =	shalt  }
.Lfunc_end0:
.L_simem_size_0:
called_computation_lowered:
.L_overlay_start_0:
0x88: {  	s2 =	sld [smem:$0x3FD9]  }
0x89: {  	s3 =	sld [smem:$0x3FFE];
	_ =	sdelay $0x1  }
0x8a: {  	s1 =	srdreg.scid  }
0x8b: {  	s0 =	sand.u32 $0x1, s1  }
0x8c: {  	s17 =	sshll.u32 s0, $0xA;
	s2 =	sadd.s32 s3, s2  }
0x8d: {  	s2 =	sadd.s32 s2, s17  }
0x8e: {  	[smem:$0x3FC4] =	sst s2  }
0x8f: {  	_ = 	snop  }
0x90: {  	s2 =	sld [smem:$0x3FD0];
	(tm) =	ssettm $0x1  }
0x91: {  	s18 =	sld [smem:$0x3FFB];
	_ =	sdelay $0x3  }
0x92: {  	_ =	strace s18  }
0x93: {  	s3 =	sld [smem:$0x3FFC];
	_ =	sdelay $0x3  }
0x94: {  	_ =	strace s3  }
0x95: {  	s3 =	sld [smem:$0x3FFD];
	_ =	sdelay $0x3  }
0x96: {  	_ =	strace s3  }
0x97: {  	_ =	strace $0x8FFFFFFF  }
0x98: {  	s19 =	sld [smem:$0x3FDB];
	_ =	sdelay $0x1  }
0x99: {  	s4 =	simm.s32 $_scs_section_size  }
0x9a: {  	s5 =	simm.s32 $_size__tile_overlayer_lowered;
	s6 =	simm.s32 $_tile_overlayer_lowered  }
0x9b: {  	s22 =	simm.s32 $0x1BFF;
	s21 =	sshll.u32 s6, $0x1;
	s3 =	sadd.s32 s4, s19  }
0x9c: {  	s7 =	simm.s32 $0x0;
	s20 =	sshll.u32 s5, $0x1;
	s5 =	sadd.s32 s21, s3  }
0x9d: {  	[timem:s7], [sflag:s22] =	dma.local [hbm:s5], s20  }
0x9e: {  	_ =	swait.ge [sflag:s22], s20  }
0x9f: {  	s4 =	ssub.s32 $0x0, s20;
	[sflag:s22] =	ssyncset.done $0x0  }
0xa0: {  	[sflag:s22] =	ssyncadd.s32 s4;
	_ =	sdelay $0x1  }
0xa1: {  	s23 =	simm.s32 $0x1B8B  }
0xa2: {  	_ =	swait.ge [sflag:s23], $0x1  }
0xa3: {  	[sflag:s23] =	ssyncset.done $0x0  }
0xa4: {  	s25 =	simm.s32 $0x1B8E;
	s24 =	sld [smem:$0x3FFE];
	[sflag:s23] =	ssyncadd.s32 $0xFFFFFFFF  }
0xa5: {  	s26 =	simm.s32 $execute0_lowered;
	[smem:$0x3FD2] =	sst s25  }
0xa6: {  	s5 =	sshll.u32 s26, $0x1;
	_ =	strace $0x80000046;
	[dreg:$0x1] =	wrdreg $0xFFFFFFFF  }
0xa7: {  	s28 =	simm.s32 $_size_execute0_lowered;
	s3 =	sadd.s32 s3, s5;
	[dreg:$0x0] =	wrdreg $0x0  }
0xa8: {  	s5 =	sshll.u32 s28, $0x1;
	[dreg:$0x2] =	wrdreg s3  }
0xa9: {  	[dreg:$0x3] =	wrdreg s5  }
0xaa: {  	[dreg:$0x4] =	wrdreg $0xC0  }
0xab: {  	_ =	task [dreg:s7], $0x5FFFF  }
0xac: {  	[dreg:$0x1] =	wrdreg $0xFFFFFFFF  }
0xad: {  	[dreg:$0x0] =	wrdreg $0x60  }
0xae: {  	[dreg:$0x2] =	wrdreg s2  }
0xaf: {  	[dreg:$0x3] =	wrdreg s24  }
0xb0: {  	[dreg:$0x4] =	wrdreg $0x79000  }
0xb1: {  	[dreg:$0x5] =	wrdreg $0x9  }
0xb2: {  	_ =	task.clear_ibuf [dreg:s7], $0x6FFFF;
	_ =	strace $0x90000046  }
0xb3: {  	s29 =	simm.s32 $0x9;
	_ =	strace $0x80000048  }
0xb4: {  	_ =	swait.ge [sflag:s29], $0x1  }
0xb5: {  	[sflag:s29] =	ssyncadd.s32 $0xFFFFFFFF  }
0xb6: {  	_ =	strace $0x90000048  }
0xb7: {  	_ =	sfence  }
0xb8: {  	s30 =	sld [smem:$0x0];
	_ =	sdelay $0x2  }
0xb9: {  	s31 =	sshll.u32 s1, $0xD;
	s1 =	sshrl.u32 s1, $0x2  }
0xba: {  	s3 =	sand.u32 $0x4000, s31;
	s1 =	sadd.s32 s1, s30  }
0xbb: {  	s0 =	sor.u32 s3, s0;
	s1 =	sshll.u32 s1, $0x11  }
0xbc: {  	s0 =	sor.u32 s1, s0  }
0xbd: {  	s0 =	sadd.s32 $0x8F2B, s0  }
0xbe: {  	[sflag:s0] =	ssyncadd.remote.s32 $0x1  }
0xbf: {  	_ =	sfence.sel $0xFFFF  }
0xc0: {  	[dreg:$0x0] =	wrdreg $0xFFFFFFFF;
	(pc) =	sbr.abs _section_cstart, $3  }
0xc1: {  	[dreg:$0x1] =	wrdreg $0xFFFFFFFF  }
0xc2: {  	_ =	task.clear_ibuf [dreg:s7], $0x2FFFF;
	_ =	strace $0x9FFFFFFF  }
0xc3: {  	(tm) =	ssettm $0x7FFFFFFF  }
tec
execute0_lowered:
.L_overlay_start_1:
0x0: {  	(tag) =	ssettag $0x1  }
0x1: {  	s0 =	rddreg [dreg:$0x0]  }
0x2: {  	s3 =	rddreg [dreg:$0x1]  }
0x3: {  	s1 =	rddreg [dreg:$0x2]  }
0x4: {  	s4 =	srdreg.scid;
	s6 =	stileid.u32;
	s2 =	simm.s32 $0x0  }
0x5: {  	s28 =	simm.s32 $0x5100;
	s29 =	simm.s32 $0x2;
	s30 =	simm.s32 $0x5B00  }
0x6: {  	s31 =	simm.s32 $0x6500;
	s4 =	sand.u32 $0x1, s4;
	s5 =	sshll.u32 s6, $0x1  }
0x7: {  	[smem:$0x7FF] =	sst s2;
	s9 =	sadd.s32 $0x800, s3;
	s16 =	smul.u32 $0x60000, s6  }
0x8: {  	s3 =	sadd.s32 $0x1400, s3;
	s20 =	smul.u32 $0x300000, s6;
	p0 =	sne.s32 s6, $0x0  }
0x9: {  	s6 =	simm.s32 $0x0;
	s5 =	sor.u32 s4, s5;
	s17 =	smul.u32 $0x30000, s4  }
0xa: {  	_ =	strace $0x80000047;
	s7 =	ssub.s32 $0x2, s4;
	s4 =	smul.u32 $0x180000, s4  }
0xb: {  	[dreg:$0x5] =	wrdreg s9;
	s8 =	smul.u32 $0x500, s5;
	s15 =	sshrl.u32 s7, $0x1  }
0xc: {  	s5 =	smul.u32 $0x30000, s5;
	s9 =	sadd.s32 s16, s3;
	s7 =	ssub.s32 s7, s15  }
0xd: {  	s4 =	sadd.s32 s4, s20;
	s20 =	simm.s32 $0x2800;
	s0 =	sadd.s32 s0, s8  }
0xe: {  	s5 =	sadd.s32 s3, s5;
	s13 =	smax.u32 s7, $0x1;
	s24 =	sor.u32 $0x8400, s4  }
0xf: {  	s25 =	sor.u32 $0xB400, s4;
	[dreg:$0x6] =	wrdreg s0;
	s18 =	sadd.s32 $0x180, s5  }
0x10: {  	s4 =	sor.u32 $0xA800, s4;
	s19 =	sadd.s32 $0x300, s5;
	[dreg:$0x7] =	wrdreg s18  }
0x11: {  	s10 =	sadd.s32 $0x480, s5;
	s21 =	sadd.s32 $0x600, s5;
	[dreg:$0x8] =	wrdreg s19  }
0x12: {  	s22 =	sadd.s32 $0x780, s5;
	s23 =	sadd.s32 $0x900, s5;
	[dreg:$0x9] =	wrdreg s10  }
0x13: {  	s12 =	sadd.s32 $0xA80, s5;
	s0 =	sadd.s32 s17, s9;
	[dreg:$0xa] =	wrdreg s21  }
0x14: {  	s26 =	sshrl.u32 s25, $0x3;
	s4 =	sshrl.u32 s4, $0x3;
	[dreg:$0xb] =	wrdreg s22  }
0x15: {  	s17 =	sshrl.u32 @!p0 s1, $0x3;
	s25 =	simm.s32 $0x4700;
	[dreg:$0xc] =	wrdreg s23  }
0x16: {  	[dreg:$0x4] =	wrdreg s0;
	s0 =	sshrl.u32 s24, $0x3;
	s15 =	sadd.s32 s26, s3  }
0x17: {  	s16 =	sadd.s32 s4, s3;
	s18 =	simm.s32 $0x5;
	s19 =	simm.s32 $0x50  }
0x18: {  	s21 =	simm.s32 $0x2900;
	s22 =	simm.s32 $0x1;
	s23 =	simm.s32 $0x3300  }
0x19: {  	s24 =	simm.s32 $0x3D00;
	s26 =	simm.s32 $0x2880;
	s4 =	simm.s32 $0x4  }
0x1a: {  	s14 =	sadd.s32 s0, s3;
	s0 =	simm.s32 $0x6F00;
	s3 =	simm.s32 $0x3  }
.LBB2_1:
0x1b: {  	s7 =	simm.s32 @!p0 $0x1C05;
	s8 =	rddreg [dreg:$0x5]  }
0x1c: {  	[spmem:s17], [sflag:s7] =	dma.local @!p0 [hbm:s8], $0xC00  }
0x1d: {  	s7 =	simm.s32 @!p0 $0x5  }
0x1e: {  	_ =	swait.ge @!p0 [sflag:s7], $0xC00  }
0x1f: {  	[sflag:s7] =	ssyncset.done @!p0 $0x0  }
0x20: {  	s11 =	rddreg [dreg:$0x6];
	[sflag:s7] =	ssyncadd.s32 @!p0 $0xFFFFF400  }
0x21: {  	[tilespmem:s2], [sflag:$0x5] =	stream.linear.gather [hbm4b:s11+s2], $0x2800, $0x38;
	[tilespmem:$0x7F00] =	vst v63  }
0x22: {  	_ =	swait.ge [sflag:s18], $0x2800  }
0x23: {  	[sflag:s18] =	ssyncset.done $0x0  }
0x24: {  	[sflag:s18] =	ssyncadd.s32 $0xFFFFD800  }
0x25: {  	[bflag:$0x0] =	sbarrier.arrive $0xFFFF  }
0x26: {  	v0 =	vld [tilespmem:$0x0]  }
0x27: {  	v1 =	vld [tilespmem:$0x10]  }
0x28: {  	v2 =	vld [tilespmem:$0x20]  }
0x29: {  	v3 =	vld [tilespmem:$0x30]  }
0x2a: {  	v4 =	vld [tilespmem:$0x40]  }
0x2b: {  	[tilespmem:$0x2800] =	vst v0  }
0x2c: {  	[tilespmem:$0x2810] =	vst v1  }
0x2d: {  	[tilespmem:$0x2820] =	vst v2  }
0x2e: {  	[tilespmem:$0x2830] =	vst v3  }
0x2f: {  	[tilespmem:$0x2840] =	vst v4  }
0x30: {  	[tilespmem:s21], [sflag:$0x1] =	stream.indirect.gather [spmem:s1], $0x80, s20, s19, $0xb8;
	[tilespmem:$0x7F00] =	vst v63  }
0x31: {  	_ =	swait.ge [sflag:s22], $0x2800  }
0x32: {  	[sflag:s22] =	ssyncset.done $0x0  }
0x33: {  	[sflag:s22] =	ssyncadd.s32 $0xFFFFD800  }
0x34: {  	[hbm4b:s5+s2] =	stream.linear.scatter [tilespmem:s21], [sflag:$0x3], $0xA00, $0x38;
	[tilespmem:$0x7F00] =	vst v63  }
0x35: {  	s8 =	rddreg [dreg:$0x7]  }
0x36: {  	[hbm4b:s8+s2] =	stream.linear.scatter [tilespmem:s23], [sflag:$0x3], $0xA00, $0x38;
	[tilespmem:$0x7F00] =	vst v63  }
0x37: {  	s9 =	rddreg [dreg:$0x8]  }
0x38: {  	[hbm4b:s9+s2] =	stream.linear.scatter [tilespmem:s24], [sflag:$0x3], $0xA00, $0x38;
	[tilespmem:$0x7F00] =	vst v63  }
0x39: {  	s10 =	rddreg [dreg:$0x9]  }
0x3a: {  	[hbm4b:s10+s2] =	stream.linear.scatter [tilespmem:s25], [sflag:$0x3], $0xA00, $0x38;
	[tilespmem:$0x7F00] =	vst v63  }
0x3b: {  	v57 =	vld [tilespmem:$0x50]  }
0x3c: {  	v58 =	vld [tilespmem:$0x60]  }
0x3d: {  	v59 =	vld [tilespmem:$0x70]  }
0x3e: {  	v60 =	vld [tilespmem:$0x80]  }
0x3f: {  	v61 =	vld [tilespmem:$0x90]  }
0x40: {  	[tilespmem:$0x2880] =	vst v57  }
0x41: {  	[tilespmem:$0x2890] =	vst v58  }
0x42: {  	[tilespmem:$0x28A0] =	vst v59  }
0x43: {  	[tilespmem:$0x28B0] =	vst v60  }
0x44: {  	[tilespmem:$0x28C0] =	vst v61  }
0x45: {  	[tilespmem:s28], [sflag:$0x2] =	stream.indirect.gather [spmem:s1], $0x80, s26, s19, $0xb8;
	[tilespmem:$0x7F00] =	vst v63  }
0x46: {  	_ =	swait.ge [sflag:s29], $0x2800  }
0x47: {  	[sflag:s29] =	ssyncset.done $0x0  }
0x48: {  	s11 =	rddreg [dreg:$0xa];
	[sflag:s29] =	ssyncadd.s32 $0xFFFFD800  }
0x49: {  	[hbm4b:s11+s2] =	stream.linear.scatter [tilespmem:s28], [sflag:$0x4], $0xA00, $0x38;
	[tilespmem:$0x7F00] =	vst v63  }
0x4a: {  	s8 =	rddreg [dreg:$0xb]  }
0x4b: {  	[hbm4b:s8+s2] =	stream.linear.scatter [tilespmem:s30], [sflag:$0x4], $0xA00, $0x38;
	[tilespmem:$0x7F00] =	vst v63  }
0x4c: {  	s9 =	rddreg [dreg:$0xc]  }
0x4d: {  	[hbm4b:s9+s2] =	stream.linear.scatter [tilespmem:s31], [sflag:$0x4], $0xA00, $0x38;
	[tilespmem:$0x7F00] =	vst v63  }
0x4e: {  	s7 =	simm.s32 $0x130  }
0x4f: {  	[hbm4b:s12+s2] =	stream.linear.scatter [tilespmem:s0], [sflag:$0x4], $0xA00, $0x38;
	[tilespmem:$0x7F00] =	vst v63  }
0x50: {  	v62 =	vld [tilespmem:s7+$0xFFFFFF70];
	_ =	sdelay $0x4  }
0x51: {  	[tilespmem:$0x2800] =	vst v62  }
0x52: {  	v0 =	vld [tilespmem:s7+$0xFFFFFF80];
	_ =	sdelay $0x4  }
0x53: {  	[tilespmem:$0x2810] =	vst v0  }
0x54: {  	v0 =	vld [tilespmem:s7+$0xFFFFFF90];
	_ =	sdelay $0x4  }
0x55: {  	[tilespmem:$0x2820] =	vst v0  }
0x56: {  	v0 =	vld [tilespmem:s7+$0xFFFFFFA0];
	_ =	sdelay $0x4  }
0x57: {  	[tilespmem:$0x2830] =	vst v0  }
0x58: {  	v0 =	vld [tilespmem:s7+$0xFFFFFFB0];
	_ =	sdelay $0x4  }
0x59: {  	[tilespmem:$0x2840] =	vst v0  }
0x5a: {  	_ =	swait.ge [sflag:s3], $0xA00  }
0x5b: {  	[sflag:s3] =	ssyncset.done $0x0  }
0x5c: {  	[sflag:s3] =	ssyncadd.s32 $0xFFFFF600  }
0x5d: {  	_ =	swait.ge [sflag:s3], $0xA00  }
0x5e: {  	[sflag:s3] =	ssyncset.done $0x0  }
0x5f: {  	[sflag:s3] =	ssyncadd.s32 $0xFFFFF600  }
0x60: {  	_ =	swait.ge [sflag:s3], $0xA00  }
0x61: {  	[sflag:s3] =	ssyncset.done $0x0  }
0x62: {  	[sflag:s3] =	ssyncadd.s32 $0xFFFFF600  }
0x63: {  	_ =	swait.ge [sflag:s3], $0xA00  }
0x64: {  	[sflag:s3] =	ssyncset.done $0x0  }
0x65: {  	[sflag:s3] =	ssyncadd.s32 $0xFFFFF600  }
0x66: {  	[tilespmem:s21], [sflag:$0x1] =	stream.indirect.gather [spmem:s1], $0x80, s20, s19, $0xb8;
	[tilespmem:$0x7F00] =	vst v63  }
0x67: {  	_ =	swait.ge [sflag:s22], $0x2800  }
0x68: {  	s10 =	rddreg [dreg:$0x4]  }
0x69: {  	[sflag:s22] =	ssyncset.done $0x0;
	s8 =	sadd.s32 $0x0, s10  }
0x6a: {  	[sflag:s22] =	ssyncadd.s32 $0xFFFFD800;
	s9 =	sadd.s32 $0xC00, s8  }
0x6b: {  	[hbm4b:s9+s2] =	stream.linear.scatter [tilespmem:s21], [sflag:$0x3], $0xA00, $0x38;
	[tilespmem:$0x7F00] =	vst v63  }
0x6c: {  	s11 =	sadd.s32 $0xD80, s8  }
0x6d: {  	[hbm4b:s11+s2] =	stream.linear.scatter [tilespmem:s23], [sflag:$0x3], $0xA00, $0x38;
	[tilespmem:$0x7F00] =	vst v63  }
0x6e: {  	s10 =	sadd.s32 $0xF00, s8  }
0x6f: {  	[hbm4b:s10+s2] =	stream.linear.scatter [tilespmem:s24], [sflag:$0x3], $0xA00, $0x38;
	[tilespmem:$0x7F00] =	vst v63  }
0x70: {  	s11 =	sadd.s32 $0x0, s14  }
0x71: {  	[hbm4b:s11+s2] =	stream.linear.scatter [tilespmem:s25], [sflag:$0x3], $0xA00, $0x38;
	[tilespmem:$0x7F00] =	vst v63  }
0x72: {  	v63 =	vld [tilespmem:s7+$0xFFFFFFC0];
	_ =	sdelay $0x4  }
0x73: {  	[tilespmem:$0x2880] =	vst v63  }
0x74: {  	v0 =	vld [tilespmem:s7+$0xFFFFFFD0];
	_ =	sdelay $0x4  }
0x75: {  	[tilespmem:$0x2890] =	vst v0  }
0x76: {  	v0 =	vld [tilespmem:s7+$0xFFFFFFE0];
	_ =	sdelay $0x4  }
0x77: {  	[tilespmem:$0x28A0] =	vst v0  }
0x78: {  	v0 =	vld [tilespmem:s7+$0xFFFFFFF0];
	_ =	sdelay $0x4  }
0x79: {  	[tilespmem:$0x28B0] =	vst v0  }
0x7a: {  	v0 =	vld [tilespmem:s7+$0x0];
	_ =	sdelay $0x4  }
0x7b: {  	[tilespmem:$0x28C0] =	vst v0  }
0x7c: {  	_ =	swait.ge [sflag:s4], $0xA00  }
0x7d: {  	[sflag:s4] =	ssyncset.done $0x0  }
0x7e: {  	[sflag:s4] =	ssyncadd.s32 $0xFFFFF600  }
0x7f: {  	_ =	swait.ge [sflag:s4], $0xA00  }
0x80: {  	[sflag:s4] =	ssyncset.done $0x0  }
0x81: {  	[sflag:s4] =	ssyncadd.s32 $0xFFFFF600  }
0x82: {  	_ =	swait.ge [sflag:s4], $0xA00  }
0x83: {  	[sflag:s4] =	ssyncset.done $0x0  }
0x84: {  	[sflag:s4] =	ssyncadd.s32 $0xFFFFF600  }
0x85: {  	_ =	swait.ge [sflag:s4], $0xA00  }
0x86: {  	[sflag:s4] =	ssyncset.done $0x0  }
0x87: {  	[sflag:s4] =	ssyncadd.s32 $0xFFFFF600  }
0x88: {  	[tilespmem:s28], [sflag:$0x2] =	stream.indirect.gather [spmem:s1], $0x80, s26, s19, $0xb8;
	[tilespmem:$0x7F00] =	vst v63  }
0x89: {  	_ =	swait.ge [sflag:s29], $0x2800  }
0x8a: {  	[sflag:s29] =	ssyncset.done $0x0  }
0x8b: {  	s9 =	sadd.s32 $0x1200, s8;
	[sflag:s29] =	ssyncadd.s32 $0xFFFFD800  }
0x8c: {  	[hbm4b:s9+s2] =	stream.linear.scatter [tilespmem:s28], [sflag:$0x4], $0xA00, $0x38;
	[tilespmem:$0x7F00] =	vst v63  }
0x8d: {  	s10 =	sadd.s32 $0x1380, s8;
	s8 =	simm.s32 $0x1D0  }
0x8e: {  	[hbm4b:s10+s2] =	stream.linear.scatter [tilespmem:s30], [sflag:$0x4], $0xA00, $0x38;
	[tilespmem:$0x7F00] =	vst v63  }
0x8f: {  	s11 =	sadd.s32 $0x0, s16;
	s7 =	simm.s32 $0xC00;
	s9 =	sadd.s32 $0x0, s15  }
0x90: {  	[hbm4b:s11+s2] =	stream.linear.scatter [tilespmem:s31], [sflag:$0x4], $0xA00, $0x38;
	[tilespmem:$0x7F00] =	vst v63  }
.LBB2_2:
0x91: {  	[hbm4b:s9+s2] =	stream.linear.scatter [tilespmem:s0], [sflag:$0x4], $0xA00, $0x38;
	[tilespmem:$0x7F00] =	vst v63  }
0x92: {  	v0 =	vld [tilespmem:s8+$0xFFFFFF70];
	_ =	sdelay $0x4  }
0x93: {  	[tilespmem:$0x2800] =	vst v0  }
0x94: {  	v0 =	vld [tilespmem:s8+$0xFFFFFF80];
	_ =	sdelay $0x4  }
0x95: {  	[tilespmem:$0x2810] =	vst v0  }
0x96: {  	v0 =	vld [tilespmem:s8+$0xFFFFFF90];
	_ =	sdelay $0x4  }
0x97: {  	[tilespmem:$0x2820] =	vst v0  }
0x98: {  	v0 =	vld [tilespmem:s8+$0xFFFFFFA0];
	_ =	sdelay $0x4  }
0x99: {  	[tilespmem:$0x2830] =	vst v0  }
0x9a: {  	v0 =	vld [tilespmem:s8+$0xFFFFFFB0];
	_ =	sdelay $0x4  }
0x9b: {  	[tilespmem:$0x2840] =	vst v0  }
0x9c: {  	_ =	swait.ge [sflag:s3], $0xA00  }
0x9d: {  	[sflag:s3] =	ssyncset.done $0x0  }
0x9e: {  	[sflag:s3] =	ssyncadd.s32 $0xFFFFF600  }
0x9f: {  	_ =	swait.ge [sflag:s3], $0xA00  }
0xa0: {  	[sflag:s3] =	ssyncset.done $0x0  }
0xa1: {  	[sflag:s3] =	ssyncadd.s32 $0xFFFFF600  }
0xa2: {  	_ =	swait.ge [sflag:s3], $0xA00  }
0xa3: {  	[sflag:s3] =	ssyncset.done $0x0  }
0xa4: {  	[sflag:s3] =	ssyncadd.s32 $0xFFFFF600  }
0xa5: {  	_ =	swait.ge [sflag:s3], $0xA00  }
0xa6: {  	[sflag:s3] =	ssyncset.done $0x0  }
0xa7: {  	[sflag:s3] =	ssyncadd.s32 $0xFFFFF600  }
0xa8: {  	[tilespmem:s21], [sflag:$0x1] =	stream.indirect.gather [spmem:s1], $0x80, s20, s19, $0xb8;
	[tilespmem:$0x7F00] =	vst v63  }
0xa9: {  	_ =	swait.ge [sflag:s22], $0x2800  }
0xaa: {  	s9 =	smov.u32 s7;
	s10 =	rddreg [dreg:$0x4]  }
0xab: {  	[sflag:s22] =	ssyncset.done $0x0;
	s10 =	sadd.s32 s9, s10  }
0xac: {  	[sflag:s22] =	ssyncadd.s32 $0xFFFFD800;
	s11 =	sadd.s32 $0xC00, s10  }
0xad: {  	[hbm4b:s11+s2] =	stream.linear.scatter [tilespmem:s21], [sflag:$0x3], $0xA00, $0x38;
	[tilespmem:$0x7F00] =	vst v63  }
0xae: {  	s11 =	sadd.s32 $0xD80, s10  }
0xaf: {  	[hbm4b:s11+s2] =	stream.linear.scatter [tilespmem:s23], [sflag:$0x3], $0xA00, $0x38;
	[tilespmem:$0x7F00] =	vst v63  }
0xb0: {  	s11 =	sadd.s32 $0xF00, s10  }
0xb1: {  	[hbm4b:s11+s2] =	stream.linear.scatter [tilespmem:s24], [sflag:$0x3], $0xA00, $0x38;
	[tilespmem:$0x7F00] =	vst v63  }
0xb2: {  	s11 =	sadd.s32 s9, s14  }
0xb3: {  	[hbm4b:s11+s2] =	stream.linear.scatter [tilespmem:s25], [sflag:$0x3], $0xA00, $0x38;
	[tilespmem:$0x7F00] =	vst v63  }
0xb4: {  	v63 =	vld [tilespmem:s8+$0xFFFFFFC0];
	_ =	sdelay $0x4  }
0xb5: {  	[tilespmem:$0x2880] =	vst v63  }
0xb6: {  	v0 =	vld [tilespmem:s8+$0xFFFFFFD0];
	_ =	sdelay $0x4  }
0xb7: {  	[tilespmem:$0x2890] =	vst v0  }
0xb8: {  	v0 =	vld [tilespmem:s8+$0xFFFFFFE0];
	_ =	sdelay $0x4  }
0xb9: {  	[tilespmem:$0x28A0] =	vst v0  }
0xba: {  	v0 =	vld [tilespmem:s8+$0xFFFFFFF0];
	_ =	sdelay $0x4  }
0xbb: {  	[tilespmem:$0x28B0] =	vst v0  }
0xbc: {  	v0 =	vld [tilespmem:s8+$0x0];
	_ =	sdelay $0x4  }
0xbd: {  	[tilespmem:$0x28C0] =	vst v0  }
0xbe: {  	_ =	swait.ge [sflag:s4], $0xA00  }
0xbf: {  	[sflag:s4] =	ssyncset.done $0x0  }
0xc0: {  	[sflag:s4] =	ssyncadd.s32 $0xFFFFF600  }
0xc1: {  	_ =	swait.ge [sflag:s4], $0xA00  }
0xc2: {  	[sflag:s4] =	ssyncset.done $0x0  }
0xc3: {  	[sflag:s4] =	ssyncadd.s32 $0xFFFFF600  }
0xc4: {  	_ =	swait.ge [sflag:s4], $0xA00  }
0xc5: {  	[sflag:s4] =	ssyncset.done $0x0  }
0xc6: {  	[sflag:s4] =	ssyncadd.s32 $0xFFFFF600  }
0xc7: {  	_ =	swait.ge [sflag:s4], $0xA00  }
0xc8: {  	[sflag:s4] =	ssyncset.done $0x0  }
0xc9: {  	[sflag:s4] =	ssyncadd.s32 $0xFFFFF600  }
0xca: {  	[tilespmem:s28], [sflag:$0x2] =	stream.indirect.gather [spmem:s1], $0x80, s26, s19, $0xb8;
	[tilespmem:$0x7F00] =	vst v63  }
0xcb: {  	_ =	swait.ge [sflag:s29], $0x2800  }
0xcc: {  	[sflag:s29] =	ssyncset.done $0x0  }
0xcd: {  	p1 =	sne.s32 s7, $0x2E800;
	s11 =	sadd.s32 $0x1200, s10;
	[sflag:s29] =	ssyncadd.s32 $0xFFFFD800  }
0xce: {  	[hbm4b:s11+s2] =	stream.linear.scatter [tilespmem:s28], [sflag:$0x4], $0xA00, $0x38;
	[tilespmem:$0x7F00] =	vst v63  }
.Ltmp0:
0xcf: {  	_ = 	snop;
	(pc) =	sbr.rel @p1 .LBB2_2-.Ltmp0, $4  }
0xd0: {  	s7 =	sadd.s32 $0xC00, s7;
	s10 =	sadd.s32 $0x1380, s10  }
0xd1: {  	[hbm4b:s10+s2] =	stream.linear.scatter [tilespmem:s30], [sflag:$0x4], $0xA00, $0x38;
	[tilespmem:$0x7F00] =	vst v63  }
0xd2: {  	s8 =	sadd.s32 $0xA0, s8;
	s11 =	sadd.s32 s9, s16;
	s9 =	sadd.s32 s9, s15  }
0xd3: {  	[hbm4b:s11+s2] =	stream.linear.scatter [tilespmem:s31], [sflag:$0x4], $0xA00, $0x38;
	[tilespmem:$0x7F00] =	vst v63  }
0xd4: {  	[hbm4b:s9+s2] =	stream.linear.scatter [tilespmem:s0], [sflag:$0x4], $0xA00, $0x38;
	[tilespmem:$0x7F00] =	vst v63  }
0xd5: {  	_ =	swait.ge [sflag:s3], $0xA00  }
0xd6: {  	[sflag:s3] =	ssyncset.done $0x0  }
0xd7: {  	[sflag:s3] =	ssyncadd.s32 $0xFFFFF600  }
0xd8: {  	_ =	swait.ge [sflag:s3], $0xA00  }
0xd9: {  	[sflag:s3] =	ssyncset.done $0x0  }
0xda: {  	[sflag:s3] =	ssyncadd.s32 $0xFFFFF600  }
0xdb: {  	_ =	swait.ge [sflag:s3], $0xA00  }
0xdc: {  	[sflag:s3] =	ssyncset.done $0x0  }
0xdd: {  	[sflag:s3] =	ssyncadd.s32 $0xFFFFF600  }
0xde: {  	_ =	swait.ge [sflag:s3], $0xA00  }
0xdf: {  	[sflag:s3] =	ssyncset.done $0x0  }
0xe0: {  	[sflag:s3] =	ssyncadd.s32 $0xFFFFF600  }
0xe1: {  	_ =	swait.ge [sflag:s4], $0xA00  }
0xe2: {  	[sflag:s4] =	ssyncset.done $0x0  }
0xe3: {  	[sflag:s4] =	ssyncadd.s32 $0xFFFFF600  }
0xe4: {  	_ =	swait.ge [sflag:s4], $0xA00  }
0xe5: {  	[sflag:s4] =	ssyncset.done $0x0  }
0xe6: {  	s6 =	sadd.s32 $0x1, s6;
	[sflag:s4] =	ssyncadd.s32 $0xFFFFF600  }
0xe7: {  	p1 =	sne.s32 s6, s13;
	_ =	swait.ge [sflag:s4], $0xA00  }
.Ltmp1:
0xe8: {  	[sflag:s4] =	ssyncset.done $0x0;
	(pc) =	sbr.rel @p1 .LBB2_1-.Ltmp1, $4  }
0xe9: {  	[sflag:s4] =	ssyncadd.s32 $0xFFFFF600  }
0xea: {  	_ =	swait.ge [sflag:s4], $0xA00  }
0xeb: {  	[sflag:s4] =	ssyncset.done $0x0  }
0xec: {  	[sflag:s4] =	ssyncadd.s32 $0xFFFFF600  }
0xed: {  	_ =	sfence.sel $0x180000  }
0xee: {  	[bflag:$0x0] =	sbarrier.arrive $0xFFFF  }
0xef: {  	_ =	strace $0x90000047  }
0xf0: {  	[bflag:$0x2] =	sbarrier.arrive $0xFFFF  }
0xf1: {  	s0 =	rddreg [dreg:$0x3]  }
0xf2: {  	s0 =	sadd.s32 @!p0 $0x100000, s0  }
0xf3: {  	[sflag:s0] =	ssyncadd.tile.s32 @!p0 $0x1;
	_ =	shalt  }
.Lfunc_end2:
_tile_overlayer_lowered:
.L_overlay_start_2:
0xf4: {  	(tag) =	ssettag $0x2  }
0xf5: {  	s0 =	rddreg [dreg:$0x0];
	s2 =	stileid.u32  }
0xf6: {  	s1 =	rddreg [dreg:$0x1];
	p0 =	sne.s32 s2, $0x0  }
0xf7: {  	s3 =	rddreg [dreg:$0x2];
	[bflag:$0x3] =	sbarrier.arrive $0xFFFF;
	s2 =	simm.s32 @!p0 $0x1C05  }
0xf8: {  	[timem:s3], [sflag:s2] =	dma.local @!p0 [hbm:s0], s1  }
0xf9: {  	s0 =	simm.s32 @!p0 $0x5  }
0xfa: {  	_ =	swait.ge @!p0 [sflag:s0], s1  }
0xfb: {  	s1 =	ssub.s32 @!p0 $0x0, s1;
	[sflag:s0] =	ssyncset.done @!p0 $0x0  }
0xfc: {  	[sflag:s0] =	ssyncadd.s32 @!p0 s1  }
0xfd: {  	[bflag:$0x3] =	sbarrier.arrive $0xFFFF  }
0xfe: {  	_ =	shalt  }

</sc_bundles>
